<compile_context>
chip_gen: v7x
topology: tpu7x:2x2x1
jax: 0.10.2.dev20260603
libtpu: 0.0.44.dev20260713+nightly
codegen_flags: <defaults>
</compile_context>

<pallas_src>
import functools

import jax
import jax.numpy as jnp
from jax import lax
from jax.experimental import pallas as pl
from jax.experimental.pallas import tpu as pltpu
from jax.experimental.pallas import tpu_sc as plsc

N = 50000
E = 800000
H = 64
G = 512
NB = 1000
NBLK = N // NB

NC, NS = 2, 16
NPAD = 50048
ROWS_PER_TILE = NPAD // NS

E1_PER_W = E // (NC * NS)
K1 = 1000

E2_PER_T = E // NS
K2 = 400

F1 = 8
FH = 32


def _sc_mesh():
    return plsc.VectorSubcoreMesh(core_axis_name="c", subcore_axis_name="s",
                                  num_cores=NC, num_subcores=NS)


def _sc_agg1(table, src, dst, zeros8):
    def body(tbl_ref, src_ref, dst_ref, z_ref, out_ref,
             sidx, didx, rows, acc, sem):
        core = lax.axis_index("c")
        sub = lax.axis_index("s")
        r0 = sub * ROWS_PER_TILE
        pltpu.sync_copy(z_ref.at[pl.ds(r0, ROWS_PER_TILE)],
                        acc.at[pl.ds(r0, ROWS_PER_TILE)])
        plsc.subcore_barrier()

        wid = core * NS + sub
        base = wid * E1_PER_W

        def chunk(j, carry):
            off = base + j * K1
            pltpu.sync_copy(src_ref.at[pl.ds(off, K1)], sidx)
            pltpu.sync_copy(dst_ref.at[pl.ds(off, K1)], didx)
            pltpu.async_copy(tbl_ref.at[sidx], rows, sem).wait()
            pltpu.sync_copy(rows, acc.at[didx], add=True)
            return carry

        lax.fori_loop(0, E1_PER_W // K1, chunk, 0)
        plsc.subcore_barrier()
        pltpu.sync_copy(acc.at[pl.ds(r0, ROWS_PER_TILE)],
                        out_ref.at[core, pl.ds(r0, ROWS_PER_TILE)])

    return pl.kernel(
        body,
        out_type=jax.ShapeDtypeStruct((NC, NPAD, F1), jnp.float32),
        mesh=_sc_mesh(),
        compiler_params=pltpu.CompilerParams(use_tc_tiling_on_sc=False),
        scratch_types=[
            pltpu.VMEM((K1,), jnp.int32),
            pltpu.VMEM((K1,), jnp.int32),
            pltpu.VMEM((K1, F1), jnp.float32),
            pltpu.VMEM_SHARED((NPAD, F1), jnp.float32),
            pltpu.SemaphoreType.DMA,
        ],
    )(table, src, dst, zeros8)


def _sc_aggh(ua, ub, src, dst, zeros32):
    def body(ua_ref, ub_ref, src_ref, dst_ref, z_ref, out_ref,
             sidx, didx, rows, acc, sem):
        core = lax.axis_index("c")
        sub = lax.axis_index("s")
        r0 = sub * ROWS_PER_TILE
        pltpu.sync_copy(z_ref.at[pl.ds(r0, ROWS_PER_TILE)],
                        acc.at[pl.ds(r0, ROWS_PER_TILE)])
        plsc.subcore_barrier()

        base = sub * E2_PER_T

        def chunk(j, carry):
            off = base + j * K2
            pltpu.sync_copy(src_ref.at[pl.ds(off, K2)], sidx)
            pltpu.sync_copy(dst_ref.at[pl.ds(off, K2)], didx)

            @pl.when(core == 0)
            def _():
                pltpu.async_copy(ua_ref.at[sidx], rows, sem).wait()

            @pl.when(core == 1)
            def _():
                pltpu.async_copy(ub_ref.at[sidx], rows, sem).wait()

            pltpu.sync_copy(rows, acc.at[didx], add=True)
            return carry

        lax.fori_loop(0, E2_PER_T // K2, chunk, 0)
        plsc.subcore_barrier()
        pltpu.sync_copy(acc.at[pl.ds(r0, ROWS_PER_TILE)],
                        out_ref.at[core, pl.ds(r0, ROWS_PER_TILE)])

    return pl.kernel(
        body,
        out_type=jax.ShapeDtypeStruct((NC, NPAD, FH), jnp.float32),
        mesh=_sc_mesh(),
        compiler_params=pltpu.CompilerParams(use_tc_tiling_on_sc=False),
        scratch_types=[
            pltpu.VMEM((K2,), jnp.int32),
            pltpu.VMEM((K2,), jnp.int32),
            pltpu.VMEM((K2, FH), jnp.float32),
            pltpu.VMEM_SHARED((NPAD, FH), jnp.float32),
            pltpu.SemaphoreType.DMA,
        ],
    )(ua, ub, src, dst, zeros32)


def _tc_layer1(x, p, w1, b1, w2, b2):
    def body(x_ref, p_ref, w1_ref, b1_ref, w2_ref, b2_ref,
             ua_ref, ub_ref, dcol_ref, sums_ref):
        i = pl.program_id(0)
        agg = p_ref[0] + p_ref[1]
        in1 = x_ref[...] + agg[:, 0:2]
        z = jnp.dot(in1, w1_ref[...], preferred_element_type=jnp.float32)
        z = jnp.maximum(z + b1_ref[...], 0.0)
        z = jnp.dot(z, w2_ref[...], preferred_element_type=jnp.float32)
        z = jnp.maximum(z + b2_ref[...], 0.0)
        ua_ref[...] = z[:, :FH]
        ub_ref[...] = z[:, FH:]
        dcol_ref[...] = jnp.broadcast_to(1.0 + agg[:, 2:3], (NB, F1))

        @pl.when(i == 0)
        def _():
            sums_ref[...] = jnp.zeros_like(sums_ref)

        sums_ref[0:1, :] += jnp.sum(z, axis=0, keepdims=True)
        sums_ref[1:2, :] += jnp.sum(z * z, axis=0, keepdims=True)

    return pl.pallas_call(
        body,
        grid=(NBLK,),
        in_specs=[
            pl.BlockSpec((NB, 2), lambda i: (i, 0)),
            pl.BlockSpec((NC, NB, F1), lambda i: (0, i, 0)),
            pl.BlockSpec((2, H), lambda i: (0, 0)),
            pl.BlockSpec((1, H), lambda i: (0, 0)),
            pl.BlockSpec((H, H), lambda i: (0, 0)),
            pl.BlockSpec((1, H), lambda i: (0, 0)),
        ],
        out_specs=[
            pl.BlockSpec((NB, FH), lambda i: (i, 0)),
            pl.BlockSpec((NB, FH), lambda i: (i, 0)),
            pl.BlockSpec((NB, F1), lambda i: (i, 0)),
            pl.BlockSpec((2, H), lambda i: (0, 0)),
        ],
        out_shape=[
            jax.ShapeDtypeStruct((N, FH), jnp.float32),
            jax.ShapeDtypeStruct((N, FH), jnp.float32),
            jax.ShapeDtypeStruct((N, F1), jnp.float32),
            jax.ShapeDtypeStruct((2, H), jnp.float32),
        ],
        compiler_params=pltpu.CompilerParams(
            dimension_semantics=("arbitrary",)),
    )(x, p, w1, b1.reshape(1, H), w2, b2.reshape(1, H))


def _tc_layer(ua, ub, aggu, dcol, a, c, w1, b1, w2, b2):
    def body(ua_ref, ub_ref, agg_ref, dcol_ref, ac_ref,
             w1_ref, b1_ref, w2_ref, b2_ref,
             oa_ref, ob_ref, sums_ref):
        i = pl.program_id(0)
        u = jnp.concatenate([ua_ref[...], ub_ref[...]], axis=1)
        agg = jnp.concatenate([agg_ref[0], agg_ref[1]], axis=1)
        inl = ac_ref[0:1, :] * (u + agg) + dcol_ref[...][:, 0:1] * ac_ref[1:2, :]
        z = jnp.dot(inl, w1_ref[...], preferred_element_type=jnp.float32)
        z = jnp.maximum(z + b1_ref[...], 0.0)
        z = jnp.dot(z, w2_ref[...], preferred_element_type=jnp.float32)
        z = jnp.maximum(z + b2_ref[...], 0.0)
        oa_ref[...] = z[:, :FH]
        ob_ref[...] = z[:, FH:]

        @pl.when(i == 0)
        def _():
            sums_ref[...] = jnp.zeros_like(sums_ref)

        sums_ref[0:1, :] += jnp.sum(z, axis=0, keepdims=True)
        sums_ref[1:2, :] += jnp.sum(z * z, axis=0, keepdims=True)

    ac = jnp.stack([a, c])
    return pl.pallas_call(
        body,
        grid=(NBLK,),
        in_specs=[
            pl.BlockSpec((NB, FH), lambda i: (i, 0)),
            pl.BlockSpec((NB, FH), lambda i: (i, 0)),
            pl.BlockSpec((NC, NB, FH), lambda i: (0, i, 0)),
            pl.BlockSpec((NB, F1), lambda i: (i, 0)),
            pl.BlockSpec((2, H), lambda i: (0, 0)),
            pl.BlockSpec((H, H), lambda i: (0, 0)),
            pl.BlockSpec((1, H), lambda i: (0, 0)),
            pl.BlockSpec((H, H), lambda i: (0, 0)),
            pl.BlockSpec((1, H), lambda i: (0, 0)),
        ],
        out_specs=[
            pl.BlockSpec((NB, FH), lambda i: (i, 0)),
            pl.BlockSpec((NB, FH), lambda i: (i, 0)),
            pl.BlockSpec((2, H), lambda i: (0, 0)),
        ],
        out_shape=[
            jax.ShapeDtypeStruct((N, FH), jnp.float32),
            jax.ShapeDtypeStruct((N, FH), jnp.float32),
            jax.ShapeDtypeStruct((2, H), jnp.float32),
        ],
        compiler_params=pltpu.CompilerParams(
            dimension_semantics=("arbitrary",)),
    )(ua, ub, aggu, dcol, ac, w1, b1.reshape(1, H), w2, b2.reshape(1, H))


def _tc_layer3_pool(ua, ub, aggu, dcol, a, c, w1, b1, w2, b2, batch3):
    def body(ua_ref, ub_ref, agg_ref, dcol_ref, ac_ref,
             w1_ref, b1_ref, w2_ref, b2_ref, bat_ref,
             pool_ref, sums_ref):
        i = pl.program_id(0)
        u = jnp.concatenate([ua_ref[...], ub_ref[...]], axis=1)
        agg = jnp.concatenate([agg_ref[0], agg_ref[1]], axis=1)
        inl = ac_ref[0:1, :] * (u + agg) + dcol_ref[...][:, 0:1] * ac_ref[1:2, :]
        z = jnp.dot(inl, w1_ref[...], preferred_element_type=jnp.float32)
        z = jnp.maximum(z + b1_ref[...], 0.0)
        z = jnp.dot(z, w2_ref[...], preferred_element_type=jnp.float32)
        z = jnp.maximum(z + b2_ref[...], 0.0)

        @pl.when(i == 0)
        def _():
            sums_ref[...] = jnp.zeros_like(sums_ref)
            pool_ref[...] = jnp.zeros_like(pool_ref)

        sums_ref[0:1, :] += jnp.sum(z, axis=0, keepdims=True)
        sums_ref[1:2, :] += jnp.sum(z * z, axis=0, keepdims=True)

        b = bat_ref[0, 0, :]
        gids = lax.broadcasted_iota(jnp.int32, (NB, G), 1)
        oh = jnp.where(b[:, None] == gids, 1.0, 0.0)
        z1 = jnp.concatenate([z, jnp.ones((NB, 1), jnp.float32)], axis=1)
        pool_ref[...] += lax.dot_general(
            oh, z1, (((0,), (0,)), ((), ())),
            preferred_element_type=jnp.float32)

    return pl.pallas_call(
        body,
        grid=(NBLK,),
        in_specs=[
            pl.BlockSpec((NB, FH), lambda i: (i, 0)),
            pl.BlockSpec((NB, FH), lambda i: (i, 0)),
            pl.BlockSpec((NC, NB, FH), lambda i: (0, i, 0)),
            pl.BlockSpec((NB, F1), lambda i: (i, 0)),
            pl.BlockSpec((2, H), lambda i: (0, 0)),
            pl.BlockSpec((H, H), lambda i: (0, 0)),
            pl.BlockSpec((1, H), lambda i: (0, 0)),
            pl.BlockSpec((H, H), lambda i: (0, 0)),
            pl.BlockSpec((1, H), lambda i: (0, 0)),
            pl.BlockSpec((1, 1, NB), lambda i: (i, 0, 0)),
        ],
        out_specs=[
            pl.BlockSpec((G, H + 1), lambda i: (0, 0)),
            pl.BlockSpec((2, H), lambda i: (0, 0)),
        ],
        out_shape=[
            jax.ShapeDtypeStruct((G, H + 1), jnp.float32),
            jax.ShapeDtypeStruct((2, H), jnp.float32),
        ],
        compiler_params=pltpu.CompilerParams(
            dimension_semantics=("arbitrary",)),
    )(ua, ub, aggu, dcol, jnp.stack([a, c]), w1, b1.reshape(1, H),
      w2, b2.reshape(1, H), batch3)


def _tc_head(pooled, sums3, gamma, beta, l1w, l1b, l2w, l2b):
    def body(pool_ref, s_ref, gb_ref, w1_ref, b1_ref, w2_ref, b2_ref, out_ref):
        mean = s_ref[0:1, :] * (1.0 / N)
        var = s_ref[1:2, :] * (1.0 / N) - mean * mean
        aa = gb_ref[0:1, :] * lax.rsqrt(var + 1e-5)
        cc = gb_ref[1:2, :] - mean * aa
        pu = pool_ref[...][:, :H]
        cnt = pool_ref[...][:, H:H + 1]
        p3 = aa * pu + cnt * cc
        hh = jnp.dot(p3, w1_ref[...], preferred_element_type=jnp.float32)
        hh = jnp.maximum(hh + b1_ref[...], 0.0)
        out = jnp.dot(hh, w2_ref[...], preferred_element_type=jnp.float32)
        out_ref[...] = out + b2_ref[...]

    return pl.pallas_call(
        body,
        out_shape=jax.ShapeDtypeStruct((G, 1), jnp.float32),
    )(pooled, sums3, jnp.stack([gamma, beta]), l1w, l1b.reshape(1, H),
      l2w, l2b.reshape(1, 1))


def _norm_coeffs(sums, gamma, beta):
    mean = sums[0] / N
    var = sums[1] / N - mean * mean
    a = gamma * jax.lax.rsqrt(var + 1e-5)
    return a, beta - mean * a


def kernel(x, edge_index, batch, params):
    src = edge_index[0]
    dst = edge_index[1]
    z8 = jnp.zeros((NPAD, F1), jnp.float32)
    z32 = jnp.zeros((NPAD, FH), jnp.float32)
    batch3 = batch.reshape(NBLK, 1, NB)

    table0 = jnp.concatenate(
        [x, jnp.ones((N, 1), jnp.float32), jnp.zeros((N, F1 - 3), jnp.float32)],
        axis=1)
    p0 = _sc_agg1(table0, src, dst, z8)
    c1p = params["conv1"]
    ua1, ub1, dcol, s1 = _tc_layer1(x, p0, c1p["W1"], c1p["b1"],
                                    c1p["W2"], c1p["b2"])
    a1, c1 = _norm_coeffs(s1, c1p["gamma"], c1p["beta"])

    p2 = params["convs"][0]
    agg1 = _sc_aggh(ua1, ub1, src, dst, z32)
    ua2, ub2, s2 = _tc_layer(ua1, ub1, agg1, dcol, a1, c1,
                             p2["W1"], p2["b1"], p2["W2"], p2["b2"])
    a2, c2 = _norm_coeffs(s2, p2["gamma"], p2["beta"])

    p3 = params["convs"][1]
    agg2 = _sc_aggh(ua2, ub2, src, dst, z32)
    pooled, s3 = _tc_layer3_pool(ua2, ub2, agg2, dcol, a2, c2,
                                 p3["W1"], p3["b1"], p3["W2"], p3["b2"],
                                 batch3)

    out = _tc_head(pooled, s3, p3["gamma"], p3["beta"],
                   params["lin1_W"], params["lin1_b"],
                   params["lin2_W"], params["lin2_b"])
    return out.reshape((G,))

# --- scband reference (transcript-rebuilt; emitter-appended) ---
"""Pipeline reference for scband-gin0-9131100472083 (READ-ONLY COPY).

The authoritative reference and input builder live on the scoring server;
editing this copy changes nothing except your own understanding.
"""

import jax, jax.numpy as jnp
import numpy as np

N_NODES = 50000
N_EDGES = 800000
HIDDEN = 64
NUM_LAYERS = 3
NUM_GRAPHS = 512
IN_DIM = 2


def _mlp_params(key, din, h):
    k1, k2 = jax.random.split(key)
    return {
        "W1": jax.random.normal(k1, (din, h), jnp.float32) * 0.1,
        "b1": jnp.zeros((h,), jnp.float32),
        "W2": jax.random.normal(k2, (h, h), jnp.float32) * 0.1,
        "b2": jnp.zeros((h,), jnp.float32),
        "gamma": jnp.ones((h,), jnp.float32),
        "beta": jnp.zeros((h,), jnp.float32),
    }


def setup_inputs(seed: int = 0) -> dict:
    key = jax.random.key(seed)
    ks = jax.random.split(key, 8 + NUM_LAYERS)
    x = jax.random.normal(ks[0], (N_NODES, IN_DIM), jnp.float32)
    edge_index = jax.random.randint(ks[1], (2, N_EDGES), 0, N_NODES, jnp.int32)
    batch = jnp.sort(jax.random.randint(ks[2], (N_NODES,), 0, NUM_GRAPHS, jnp.int32))
    params = {
        "conv1": _mlp_params(ks[3], IN_DIM, HIDDEN),
        "convs": [_mlp_params(ks[4 + i], HIDDEN, HIDDEN) for i in range(NUM_LAYERS - 1)],
        "lin1_W": jax.random.normal(ks[4 + NUM_LAYERS], (HIDDEN, HIDDEN), jnp.float32) * 0.1,
        "lin1_b": jnp.zeros((HIDDEN,), jnp.float32),
        "lin2_W": jax.random.normal(ks[5 + NUM_LAYERS], (HIDDEN, 1), jnp.float32) * 0.1,
        "lin2_b": jnp.zeros((1,), jnp.float32),
    }
    return {"x": x, "edge_index": edge_index, "batch": batch, "params": params}


def _mlp(p, h):
    h = jnp.maximum(h @ p["W1"] + p["b1"], 0.0)
    h = jnp.maximum(h @ p["W2"] + p["b2"], 0.0)
    mean = jnp.mean(h, axis=0)
    var = jnp.var(h, axis=0)
    h = (h - mean) / jnp.sqrt(var + 1e-5) * p["gamma"] + p["beta"]
    return h


def _gin_conv(p, h, src, dst):
    # GINConv, train_eps=False (eps=0): mlp((1+0)*x + sum_{j in N(i)} x_j)
    agg = jax.ops.segment_sum(h[src], dst, num_segments=N_NODES)
    return _mlp(p, h + agg)


def reference(x, edge_index, batch, params):
    src = edge_index[0]
    dst = edge_index[1]
    h = _gin_conv(params["conv1"], x, src, dst)
    for p in params["convs"]:
        h = _gin_conv(p, h, src, dst)
    pooled = jax.ops.segment_sum(h, batch, num_segments=NUM_GRAPHS)
    h = jnp.maximum(pooled @ params["lin1_W"] + params["lin1_b"], 0.0)
    # dropout is identity in eval mode
    out = h @ params["lin2_W"] + params["lin2_b"]
    return out.reshape((out.shape[0],))

if __name__ == "__main__":
    import jax
    _d = setup_inputs()
    print(jax.jit(kernel)(*tuple(_d.values())))

</pallas_src>

<mosaic_0001>
#map = affine_map<(d0, d1) -> (0, 0)>
#map1 = affine_map<(d0, d1) -> (0)>
#map2 = affine_map<(d0, d1) -> (0, 0, 0)>
module attributes {stable_mosaic.version = 14 : i64} {
  func.func @body(%arg0: i32, %arg1: i32, %arg2: memref<50000x32xf32, #tpu.memory_space<hbm>>, %arg3: memref<50000x32xf32, #tpu.memory_space<hbm>>, %arg4: memref<800000xi32, #tpu.memory_space<hbm>>, %arg5: memref<800000xi32, #tpu.memory_space<hbm>>, %arg6: memref<50048x32xf32, #tpu.memory_space<hbm>>, %arg7: memref<2x50048x32xf32, #tpu.memory_space<hbm>>, %arg8: memref<400xi32, #tpu.memory_space<vmem>>, %arg9: memref<400xi32, #tpu.memory_space<vmem>>, %arg10: memref<400x32xf32, #tpu.memory_space<vmem>>, %arg11: memref<50048x32xf32, #tpu.memory_space<vmem_shared>>, %arg12: memref<!tpu.dma_semaphore, #tpu.memory_space<semaphore_mem>>) attributes {dimension_semantics = [#tpu.dimension_semantics<core_parallel>, #tpu.dimension_semantics<subcore_parallel>], iteration_bounds = array<i64: 2, 16>, scalar_prefetch = 0 : i64, scratch_operands = 5 : i64, tpu.core_type = #tpu.core_type<sc_vector_subcore>, window_params = [{transform_indices = #map}, {transform_indices = #map}, {transform_indices = #map1}, {transform_indices = #map1}, {transform_indices = #map}, {transform_indices = #map2}]} {
    %mul3A = arith.constant 3128 : i32
    %mul3A_0 = arith.muli %arg1, %mul3A : i32
    "tpu.region"() ({
      %run_scoped3A = tpu.sem_alloc : memref<!tpu.dma_semaphore, #tpu.memory_space<semaphore_mem>>
      %dma_start3A = arith.constant 0 : i32
      %dma_start3A_9 = tpu.memref_slice %arg11[%mul3A_0, %dma_start3A] : memref<50048x32xf32, #tpu.memory_space<vmem_shared>> -> memref<3128x32xf32, #tpu.memory_space<vmem_shared>>
      %dma_start3A_10 = arith.constant 0 : i32
      %dma_start3A_11 = tpu.memref_slice %arg6[%mul3A_0, %dma_start3A_10] : memref<50048x32xf32, #tpu.memory_space<hbm>> -> memref<3128x32xf32, #tpu.memory_space<hbm>>
      tpu.enqueue_dma source(%dma_start3A_11 : memref<3128x32xf32, #tpu.memory_space<hbm>>) target(%dma_start3A_9 : memref<3128x32xf32, #tpu.memory_space<vmem_shared>>) target_semaphore(%run_scoped3A : memref<!tpu.dma_semaphore, #tpu.memory_space<semaphore_mem>>)
      %dma_wait3A = arith.constant 0 : i32
      %dma_wait3A_12 = tpu.memref_slice %arg11[%mul3A_0, %dma_wait3A] : memref<50048x32xf32, #tpu.memory_space<vmem_shared>> -> memref<3128x32xf32, #tpu.memory_space<vmem_shared>>
      %dma_wait3A_13 = arith.constant 0 : i32
      %dma_wait3A_14 = tpu.memref_slice %arg6[%mul3A_0, %dma_wait3A_13] : memref<50048x32xf32, #tpu.memory_space<hbm>> -> memref<3128x32xf32, #tpu.memory_space<hbm>>
      tpu.wait_dma2 semaphore(%run_scoped3A : memref<!tpu.dma_semaphore, #tpu.memory_space<semaphore_mem>>) src(%dma_wait3A_14 : memref<3128x32xf32, #tpu.memory_space<hbm>>) dst(%dma_wait3A_12 : memref<3128x32xf32, #tpu.memory_space<vmem_shared>>)
      tpu.yield
    }) : () -> ()
    %barrier3A = arith.constant 0 : index
    tpu.barrier barrier_id(%barrier3A)
    %mul3A_1 = arith.constant 50000 : i32
    %mul3A_2 = arith.muli %arg1, %mul3A_1 : i32
    %scan3A = arith.constant 0 : i32
    %scan3A_3 = arith.constant 0 : i32
    %scan3A_4 = arith.constant 125 : i32
    %scan3A_5 = arith.addi %scan3A_3, %scan3A_4 : i32
    %scan3A_6 = arith.constant 1 : i32
    scf.for %scan3A_9 = %scan3A_3 to %scan3A_5 step %scan3A_6  : i32 {
      %mul3A_10 = arith.constant 400 : i32
      %mul3A_11 = arith.muli %scan3A_9, %mul3A_10 : i32
      %add3A = arith.addi %mul3A_2, %mul3A_11 : i32
      "tpu.region"() ({
        %run_scoped3A = tpu.sem_alloc : memref<!tpu.dma_semaphore, #tpu.memory_space<semaphore_mem>>
        %dma_start3A = tpu.memref_slice %arg4[%add3A] : memref<800000xi32, #tpu.memory_space<hbm>> -> memref<400xi32, #tpu.memory_space<hbm>>
        %dma_start3A_19 = tpu.memref_slice %arg4[%add3A] : memref<800000xi32, #tpu.memory_space<hbm>> -> memref<400xi32, #tpu.memory_space<hbm>>
        tpu.enqueue_dma source(%dma_start3A_19 : memref<400xi32, #tpu.memory_space<hbm>>) target(%arg8 : memref<400xi32, #tpu.memory_space<vmem>>) target_semaphore(%run_scoped3A : memref<!tpu.dma_semaphore, #tpu.memory_space<semaphore_mem>>)
        %dma_wait3A = tpu.memref_slice %arg4[%add3A] : memref<800000xi32, #tpu.memory_space<hbm>> -> memref<400xi32, #tpu.memory_space<hbm>>
        %dma_wait3A_20 = tpu.memref_slice %arg4[%add3A] : memref<800000xi32, #tpu.memory_space<hbm>> -> memref<400xi32, #tpu.memory_space<hbm>>
        tpu.wait_dma2 semaphore(%run_scoped3A : memref<!tpu.dma_semaphore, #tpu.memory_space<semaphore_mem>>) src(%dma_wait3A_20 : memref<400xi32, #tpu.memory_space<hbm>>) dst(%arg8 : memref<400xi32, #tpu.memory_space<vmem>>)
        tpu.yield
      }) : () -> ()
      "tpu.region"() ({
        %run_scoped3A = tpu.sem_alloc : memref<!tpu.dma_semaphore, #tpu.memory_space<semaphore_mem>>
        %dma_start3A = tpu.memref_slice %arg5[%add3A] : memref<800000xi32, #tpu.memory_space<hbm>> -> memref<400xi32, #tpu.memory_space<hbm>>
        %dma_start3A_19 = tpu.memref_slice %arg5[%add3A] : memref<800000xi32, #tpu.memory_space<hbm>> -> memref<400xi32, #tpu.memory_space<hbm>>
        tpu.enqueue_dma source(%dma_start3A_19 : memref<400xi32, #tpu.memory_space<hbm>>) target(%arg9 : memref<400xi32, #tpu.memory_space<vmem>>) target_semaphore(%run_scoped3A : memref<!tpu.dma_semaphore, #tpu.memory_space<semaphore_mem>>)
        %dma_wait3A = tpu.memref_slice %arg5[%add3A] : memref<800000xi32, #tpu.memory_space<hbm>> -> memref<400xi32, #tpu.memory_space<hbm>>
        %dma_wait3A_20 = tpu.memref_slice %arg5[%add3A] : memref<800000xi32, #tpu.memory_space<hbm>> -> memref<400xi32, #tpu.memory_space<hbm>>
        tpu.wait_dma2 semaphore(%run_scoped3A : memref<!tpu.dma_semaphore, #tpu.memory_space<semaphore_mem>>) src(%dma_wait3A_20 : memref<400xi32, #tpu.memory_space<hbm>>) dst(%arg9 : memref<400xi32, #tpu.memory_space<vmem>>)
        tpu.yield
      }) : () -> ()
      %eq3A = arith.constant 0 : i32
      %eq3A_12 = arith.cmpi eq, %arg0, %eq3A : i32
      %convert_element_type3A = arith.extui %eq3A_12 : i1 to i32
      %cond3A = arith.constant 0 : i32
      %cond3A_13 = arith.cmpi ne, %convert_element_type3A, %cond3A : i32
      scf.if %cond3A_13 {
        %dma_start3A = arith.constant 0 : i32
        %dma_start3A_19 = arith.constant 0 : i32
        %dma_start3A_20 = tpu.memref_slice %arg2[%dma_start3A, %dma_start3A_19] : memref<50000x32xf32, #tpu.memory_space<hbm>> -> memref<50000x32xf32, #tpu.memory_space<hbm>>
        tpu.enqueue_indirect_dma source(%dma_start3A_20 : memref<50000x32xf32, #tpu.memory_space<hbm>>) target(%arg10 : memref<400x32xf32, #tpu.memory_space<vmem>>) offsets(%arg8 : memref<400xi32, #tpu.memory_space<vmem>>) semaphore(%arg12 : memref<!tpu.dma_semaphore, #tpu.memory_space<semaphore_mem>>)
        %dma_wait3A = arith.constant 0 : i32
        %dma_wait3A_21 = arith.constant 0 : i32
        %dma_wait3A_22 = tpu.memref_slice %arg2[%dma_wait3A, %dma_wait3A_21] : memref<50000x32xf32, #tpu.memory_space<hbm>> -> memref<50000x32xf32, #tpu.memory_space<hbm>>
        tpu.wait_indirect_dma semaphore(%arg12 : memref<!tpu.dma_semaphore, #tpu.memory_space<semaphore_mem>>) src(%dma_wait3A_22 : memref<50000x32xf32, #tpu.memory_space<hbm>>) dst(%arg10 : memref<400x32xf32, #tpu.memory_space<vmem>>)
      } else {
      }
      %eq3A_14 = arith.constant 1 : i32
      %eq3A_15 = arith.cmpi eq, %arg0, %eq3A_14 : i32
      %convert_element_type3A_16 = arith.extui %eq3A_15 : i1 to i32
      %cond3A_17 = arith.constant 0 : i32
      %cond3A_18 = arith.cmpi ne, %convert_element_type3A_16, %cond3A_17 : i32
      scf.if %cond3A_18 {
        %dma_start3A = arith.constant 0 : i32
        %dma_start3A_19 = arith.constant 0 : i32
        %dma_start3A_20 = tpu.memref_slice %arg3[%dma_start3A, %dma_start3A_19] : memref<50000x32xf32, #tpu.memory_space<hbm>> -> memref<50000x32xf32, #tpu.memory_space<hbm>>
        tpu.enqueue_indirect_dma source(%dma_start3A_20 : memref<50000x32xf32, #tpu.memory_space<hbm>>) target(%arg10 : memref<400x32xf32, #tpu.memory_space<vmem>>) offsets(%arg8 : memref<400xi32, #tpu.memory_space<vmem>>) semaphore(%arg12 : memref<!tpu.dma_semaphore, #tpu.memory_space<semaphore_mem>>)
        %dma_wait3A = arith.constant 0 : i32
        %dma_wait3A_21 = arith.constant 0 : i32
        %dma_wait3A_22 = tpu.memref_slice %arg3[%dma_wait3A, %dma_wait3A_21] : memref<50000x32xf32, #tpu.memory_space<hbm>> -> memref<50000x32xf32, #tpu.memory_space<hbm>>
        tpu.wait_indirect_dma semaphore(%arg12 : memref<!tpu.dma_semaphore, #tpu.memory_space<semaphore_mem>>) src(%dma_wait3A_22 : memref<50000x32xf32, #tpu.memory_space<hbm>>) dst(%arg10 : memref<400x32xf32, #tpu.memory_space<vmem>>)
      } else {
      }
      "tpu.region"() ({
        %run_scoped3A = tpu.sem_alloc : memref<!tpu.dma_semaphore, #tpu.memory_space<semaphore_mem>>
        %dma_start3A = arith.constant 0 : i32
        %dma_start3A_19 = arith.constant 0 : i32
        %dma_start3A_20 = tpu.memref_slice %arg11[%dma_start3A, %dma_start3A_19] : memref<50048x32xf32, #tpu.memory_space<vmem_shared>> -> memref<50048x32xf32, #tpu.memory_space<vmem_shared>>
        tpu.enqueue_indirect_dma source(%arg10 : memref<400x32xf32, #tpu.memory_space<vmem>>) target(%dma_start3A_20 : memref<50048x32xf32, #tpu.memory_space<vmem_shared>>) offsets(%arg9 : memref<400xi32, #tpu.memory_space<vmem>>) semaphore(%run_scoped3A : memref<!tpu.dma_semaphore, #tpu.memory_space<semaphore_mem>>) {add = true}
        %dma_wait3A = arith.constant 0 : i32
        %dma_wait3A_21 = arith.constant 0 : i32
        %dma_wait3A_22 = tpu.memref_slice %arg11[%dma_wait3A, %dma_wait3A_21] : memref<50048x32xf32, #tpu.memory_space<vmem_shared>> -> memref<50048x32xf32, #tpu.memory_space<vmem_shared>>
        tpu.wait_indirect_dma semaphore(%run_scoped3A : memref<!tpu.dma_semaphore, #tpu.memory_space<semaphore_mem>>) src(%arg10 : memref<400x32xf32, #tpu.memory_space<vmem>>) dst(%dma_wait3A_22 : memref<50048x32xf32, #tpu.memory_space<vmem_shared>>)
        tpu.yield
      }) : () -> ()
    }
    %scan3A_7 = arith.constant 125 : i32
    %barrier3A_8 = arith.constant 0 : index
    tpu.barrier barrier_id(%barrier3A_8)
    "tpu.region"() ({
      %run_scoped3A = tpu.sem_alloc : memref<!tpu.dma_semaphore, #tpu.memory_space<semaphore_mem>>
      %dma_start3A = arith.constant 0 : i32
      %dma_start3A_9 = tpu.memref_slice %arg7[%arg0, %mul3A_0, %dma_start3A] : memref<2x50048x32xf32, #tpu.memory_space<hbm>> -> memref<1x3128x32xf32, #tpu.memory_space<hbm>>
      %dma_start3A_10 = tpu.memref_squeeze %dma_start3A_9 : memref<1x3128x32xf32, #tpu.memory_space<hbm>> -> memref<3128x32xf32, #tpu.memory_space<hbm>>
      %dma_start3A_11 = arith.constant 0 : i32
      %dma_start3A_12 = tpu.memref_slice %arg11[%mul3A_0, %dma_start3A_11] : memref<50048x32xf32, #tpu.memory_space<vmem_shared>> -> memref<3128x32xf32, #tpu.memory_space<vmem_shared>>
      tpu.enqueue_dma source(%dma_start3A_12 : memref<3128x32xf32, #tpu.memory_space<vmem_shared>>) target(%dma_start3A_10 : memref<3128x32xf32, #tpu.memory_space<hbm>>) target_semaphore(%run_scoped3A : memref<!tpu.dma_semaphore, #tpu.memory_space<semaphore_mem>>)
      %dma_wait3A = arith.constant 0 : i32
      %dma_wait3A_13 = tpu.memref_slice %arg7[%arg0, %mul3A_0, %dma_wait3A] : memref<2x50048x32xf32, #tpu.memory_space<hbm>> -> memref<1x3128x32xf32, #tpu.memory_space<hbm>>
      %dma_wait3A_14 = tpu.memref_squeeze %dma_wait3A_13 : memref<1x3128x32xf32, #tpu.memory_space<hbm>> -> memref<3128x32xf32, #tpu.memory_space<hbm>>
      %dma_wait3A_15 = arith.constant 0 : i32
      %dma_wait3A_16 = tpu.memref_slice %arg11[%mul3A_0, %dma_wait3A_15] : memref<50048x32xf32, #tpu.memory_space<vmem_shared>> -> memref<3128x32xf32, #tpu.memory_space<vmem_shared>>
      tpu.wait_dma2 semaphore(%run_scoped3A : memref<!tpu.dma_semaphore, #tpu.memory_space<semaphore_mem>>) src(%dma_wait3A_16 : memref<3128x32xf32, #tpu.memory_space<vmem_shared>>) dst(%dma_wait3A_14 : memref<3128x32xf32, #tpu.memory_space<hbm>>)
      tpu.yield
    }) : () -> ()
    return
  }
}

#map = affine_map<(d0, d1) -> (0, 0)>
#map1 = affine_map<(d0, d1) -> (0)>
#map2 = affine_map<(d0, d1) -> (0, 0, 0)>
module attributes {stable_mosaic.version = 14 : i64} {
  func.func @body(%arg0: i32, %arg1: i32, %arg2: memref<50000x8xf32, #tpu.memory_space<hbm>>, %arg3: memref<800000xi32, #tpu.memory_space<hbm>>, %arg4: memref<800000xi32, #tpu.memory_space<hbm>>, %arg5: memref<50048x8xf32, #tpu.memory_space<hbm>>, %arg6: memref<2x50048x8xf32, #tpu.memory_space<hbm>>, %arg7: memref<1000xi32, #tpu.memory_space<vmem>>, %arg8: memref<1000xi32, #tpu.memory_space<vmem>>, %arg9: memref<1000x8xf32, #tpu.memory_space<vmem>>, %arg10: memref<50048x8xf32, #tpu.memory_space<vmem_shared>>, %arg11: memref<!tpu.dma_semaphore, #tpu.memory_space<semaphore_mem>>) attributes {dimension_semantics = [#tpu.dimension_semantics<core_parallel>, #tpu.dimension_semantics<subcore_parallel>], iteration_bounds = array<i64: 2, 16>, scalar_prefetch = 0 : i64, scratch_operands = 5 : i64, tpu.core_type = #tpu.core_type<sc_vector_subcore>, window_params = [{transform_indices = #map}, {transform_indices = #map1}, {transform_indices = #map1}, {transform_indices = #map}, {transform_indices = #map2}]} {
    %mul3A = arith.constant 3128 : i32
    %mul3A_0 = arith.muli %arg1, %mul3A : i32
    "tpu.region"() ({
      %run_scoped3A = tpu.sem_alloc : memref<!tpu.dma_semaphore, #tpu.memory_space<semaphore_mem>>
      %dma_start3A = arith.constant 0 : i32
      %dma_start3A_11 = tpu.memref_slice %arg10[%mul3A_0, %dma_start3A] : memref<50048x8xf32, #tpu.memory_space<vmem_shared>> -> memref<3128x8xf32, #tpu.memory_space<vmem_shared>>
      %dma_start3A_12 = arith.constant 0 : i32
      %dma_start3A_13 = tpu.memref_slice %arg5[%mul3A_0, %dma_start3A_12] : memref<50048x8xf32, #tpu.memory_space<hbm>> -> memref<3128x8xf32, #tpu.memory_space<hbm>>
      tpu.enqueue_dma source(%dma_start3A_13 : memref<3128x8xf32, #tpu.memory_space<hbm>>) target(%dma_start3A_11 : memref<3128x8xf32, #tpu.memory_space<vmem_shared>>) target_semaphore(%run_scoped3A : memref<!tpu.dma_semaphore, #tpu.memory_space<semaphore_mem>>)
      %dma_wait3A = arith.constant 0 : i32
      %dma_wait3A_14 = tpu.memref_slice %arg10[%mul3A_0, %dma_wait3A] : memref<50048x8xf32, #tpu.memory_space<vmem_shared>> -> memref<3128x8xf32, #tpu.memory_space<vmem_shared>>
      %dma_wait3A_15 = arith.constant 0 : i32
      %dma_wait3A_16 = tpu.memref_slice %arg5[%mul3A_0, %dma_wait3A_15] : memref<50048x8xf32, #tpu.memory_space<hbm>> -> memref<3128x8xf32, #tpu.memory_space<hbm>>
      tpu.wait_dma2 semaphore(%run_scoped3A : memref<!tpu.dma_semaphore, #tpu.memory_space<semaphore_mem>>) src(%dma_wait3A_16 : memref<3128x8xf32, #tpu.memory_space<hbm>>) dst(%dma_wait3A_14 : memref<3128x8xf32, #tpu.memory_space<vmem_shared>>)
      tpu.yield
    }) : () -> ()
    %barrier3A = arith.constant 0 : index
    tpu.barrier barrier_id(%barrier3A)
    %mul3A_1 = arith.constant 16 : i32
    %mul3A_2 = arith.muli %arg0, %mul3A_1 : i32
    %add3A = arith.addi %mul3A_2, %arg1 : i32
    %mul3A_3 = arith.constant 25000 : i32
    %mul3A_4 = arith.muli %add3A, %mul3A_3 : i32
    %scan3A = arith.constant 0 : i32
    %scan3A_5 = arith.constant 0 : i32
    %scan3A_6 = arith.constant 25 : i32
    %scan3A_7 = arith.addi %scan3A_5, %scan3A_6 : i32
    %scan3A_8 = arith.constant 1 : i32
    scf.for %scan3A_11 = %scan3A_5 to %scan3A_7 step %scan3A_8  : i32 {
      %mul3A_12 = arith.constant 1000 : i32
      %mul3A_13 = arith.muli %scan3A_11, %mul3A_12 : i32
      %add3A_14 = arith.addi %mul3A_4, %mul3A_13 : i32
      "tpu.region"() ({
        %run_scoped3A = tpu.sem_alloc : memref<!tpu.dma_semaphore, #tpu.memory_space<semaphore_mem>>
        %dma_start3A_19 = tpu.memref_slice %arg3[%add3A_14] : memref<800000xi32, #tpu.memory_space<hbm>> -> memref<1000xi32, #tpu.memory_space<hbm>>
        %dma_start3A_20 = tpu.memref_slice %arg3[%add3A_14] : memref<800000xi32, #tpu.memory_space<hbm>> -> memref<1000xi32, #tpu.memory_space<hbm>>
        tpu.enqueue_dma source(%dma_start3A_20 : memref<1000xi32, #tpu.memory_space<hbm>>) target(%arg7 : memref<1000xi32, #tpu.memory_space<vmem>>) target_semaphore(%run_scoped3A : memref<!tpu.dma_semaphore, #tpu.memory_space<semaphore_mem>>)
        %dma_wait3A_21 = tpu.memref_slice %arg3[%add3A_14] : memref<800000xi32, #tpu.memory_space<hbm>> -> memref<1000xi32, #tpu.memory_space<hbm>>
        %dma_wait3A_22 = tpu.memref_slice %arg3[%add3A_14] : memref<800000xi32, #tpu.memory_space<hbm>> -> memref<1000xi32, #tpu.memory_space<hbm>>
        tpu.wait_dma2 semaphore(%run_scoped3A : memref<!tpu.dma_semaphore, #tpu.memory_space<semaphore_mem>>) src(%dma_wait3A_22 : memref<1000xi32, #tpu.memory_space<hbm>>) dst(%arg7 : memref<1000xi32, #tpu.memory_space<vmem>>)
        tpu.yield
      }) : () -> ()
      "tpu.region"() ({
        %run_scoped3A = tpu.sem_alloc : memref<!tpu.dma_semaphore, #tpu.memory_space<semaphore_mem>>
        %dma_start3A_19 = tpu.memref_slice %arg4[%add3A_14] : memref<800000xi32, #tpu.memory_space<hbm>> -> memref<1000xi32, #tpu.memory_space<hbm>>
        %dma_start3A_20 = tpu.memref_slice %arg4[%add3A_14] : memref<800000xi32, #tpu.memory_space<hbm>> -> memref<1000xi32, #tpu.memory_space<hbm>>
        tpu.enqueue_dma source(%dma_start3A_20 : memref<1000xi32, #tpu.memory_space<hbm>>) target(%arg8 : memref<1000xi32, #tpu.memory_space<vmem>>) target_semaphore(%run_scoped3A : memref<!tpu.dma_semaphore, #tpu.memory_space<semaphore_mem>>)
        %dma_wait3A_21 = tpu.memref_slice %arg4[%add3A_14] : memref<800000xi32, #tpu.memory_space<hbm>> -> memref<1000xi32, #tpu.memory_space<hbm>>
        %dma_wait3A_22 = tpu.memref_slice %arg4[%add3A_14] : memref<800000xi32, #tpu.memory_space<hbm>> -> memref<1000xi32, #tpu.memory_space<hbm>>
        tpu.wait_dma2 semaphore(%run_scoped3A : memref<!tpu.dma_semaphore, #tpu.memory_space<semaphore_mem>>) src(%dma_wait3A_22 : memref<1000xi32, #tpu.memory_space<hbm>>) dst(%arg8 : memref<1000xi32, #tpu.memory_space<vmem>>)
        tpu.yield
      }) : () -> ()
      %dma_start3A = arith.constant 0 : i32
      %dma_start3A_15 = arith.constant 0 : i32
      %dma_start3A_16 = tpu.memref_slice %arg2[%dma_start3A, %dma_start3A_15] : memref<50000x8xf32, #tpu.memory_space<hbm>> -> memref<50000x8xf32, #tpu.memory_space<hbm>>
      tpu.enqueue_indirect_dma source(%dma_start3A_16 : memref<50000x8xf32, #tpu.memory_space<hbm>>) target(%arg9 : memref<1000x8xf32, #tpu.memory_space<vmem>>) offsets(%arg7 : memref<1000xi32, #tpu.memory_space<vmem>>) semaphore(%arg11 : memref<!tpu.dma_semaphore, #tpu.memory_space<semaphore_mem>>)
      %dma_wait3A = arith.constant 0 : i32
      %dma_wait3A_17 = arith.constant 0 : i32
      %dma_wait3A_18 = tpu.memref_slice %arg2[%dma_wait3A, %dma_wait3A_17] : memref<50000x8xf32, #tpu.memory_space<hbm>> -> memref<50000x8xf32, #tpu.memory_space<hbm>>
      tpu.wait_indirect_dma semaphore(%arg11 : memref<!tpu.dma_semaphore, #tpu.memory_space<semaphore_mem>>) src(%dma_wait3A_18 : memref<50000x8xf32, #tpu.memory_space<hbm>>) dst(%arg9 : memref<1000x8xf32, #tpu.memory_space<vmem>>)
      "tpu.region"() ({
        %run_scoped3A = tpu.sem_alloc : memref<!tpu.dma_semaphore, #tpu.memory_space<semaphore_mem>>
        %dma_start3A_19 = arith.constant 0 : i32
        %dma_start3A_20 = arith.constant 0 : i32
        %dma_start3A_21 = tpu.memref_slice %arg10[%dma_start3A_19, %dma_start3A_20] : memref<50048x8xf32, #tpu.memory_space<vmem_shared>> -> memref<50048x8xf32, #tpu.memory_space<vmem_shared>>
        tpu.enqueue_indirect_dma source(%arg9 : memref<1000x8xf32, #tpu.memory_space<vmem>>) target(%dma_start3A_21 : memref<50048x8xf32, #tpu.memory_space<vmem_shared>>) offsets(%arg8 : memref<1000xi32, #tpu.memory_space<vmem>>) semaphore(%run_scoped3A : memref<!tpu.dma_semaphore, #tpu.memory_space<semaphore_mem>>) {add = true}
        %dma_wait3A_22 = arith.constant 0 : i32
        %dma_wait3A_23 = arith.constant 0 : i32
        %dma_wait3A_24 = tpu.memref_slice %arg10[%dma_wait3A_22, %dma_wait3A_23] : memref<50048x8xf32, #tpu.memory_space<vmem_shared>> -> memref<50048x8xf32, #tpu.memory_space<vmem_shared>>
        tpu.wait_indirect_dma semaphore(%run_scoped3A : memref<!tpu.dma_semaphore, #tpu.memory_space<semaphore_mem>>) src(%arg9 : memref<1000x8xf32, #tpu.memory_space<vmem>>) dst(%dma_wait3A_24 : memref<50048x8xf32, #tpu.memory_space<vmem_shared>>)
        tpu.yield
      }) : () -> ()
    }
    %scan3A_9 = arith.constant 25 : i32
    %barrier3A_10 = arith.constant 0 : index
    tpu.barrier barrier_id(%barrier3A_10)
    "tpu.region"() ({
      %run_scoped3A = tpu.sem_alloc : memref<!tpu.dma_semaphore, #tpu.memory_space<semaphore_mem>>
      %dma_start3A = arith.constant 0 : i32
      %dma_start3A_11 = tpu.memref_slice %arg6[%arg0, %mul3A_0, %dma_start3A] : memref<2x50048x8xf32, #tpu.memory_space<hbm>> -> memref<1x3128x8xf32, #tpu.memory_space<hbm>>
      %dma_start3A_12 = tpu.memref_squeeze %dma_start3A_11 : memref<1x3128x8xf32, #tpu.memory_space<hbm>> -> memref<3128x8xf32, #tpu.memory_space<hbm>>
      %dma_start3A_13 = arith.constant 0 : i32
      %dma_start3A_14 = tpu.memref_slice %arg10[%mul3A_0, %dma_start3A_13] : memref<50048x8xf32, #tpu.memory_space<vmem_shared>> -> memref<3128x8xf32, #tpu.memory_space<vmem_shared>>
      tpu.enqueue_dma source(%dma_start3A_14 : memref<3128x8xf32, #tpu.memory_space<vmem_shared>>) target(%dma_start3A_12 : memref<3128x8xf32, #tpu.memory_space<hbm>>) target_semaphore(%run_scoped3A : memref<!tpu.dma_semaphore, #tpu.memory_space<semaphore_mem>>)
      %dma_wait3A = arith.constant 0 : i32
      %dma_wait3A_15 = tpu.memref_slice %arg6[%arg0, %mul3A_0, %dma_wait3A] : memref<2x50048x8xf32, #tpu.memory_space<hbm>> -> memref<1x3128x8xf32, #tpu.memory_space<hbm>>
      %dma_wait3A_16 = tpu.memref_squeeze %dma_wait3A_15 : memref<1x3128x8xf32, #tpu.memory_space<hbm>> -> memref<3128x8xf32, #tpu.memory_space<hbm>>
      %dma_wait3A_17 = arith.constant 0 : i32
      %dma_wait3A_18 = tpu.memref_slice %arg10[%mul3A_0, %dma_wait3A_17] : memref<50048x8xf32, #tpu.memory_space<vmem_shared>> -> memref<3128x8xf32, #tpu.memory_space<vmem_shared>>
      tpu.wait_dma2 semaphore(%run_scoped3A : memref<!tpu.dma_semaphore, #tpu.memory_space<semaphore_mem>>) src(%dma_wait3A_18 : memref<3128x8xf32, #tpu.memory_space<vmem_shared>>) dst(%dma_wait3A_16 : memref<3128x8xf32, #tpu.memory_space<hbm>>)
      tpu.yield
    }) : () -> ()
    return
  }
}

#map = affine_map<(d0, d1) -> (0, 0)>
#map1 = affine_map<(d0, d1) -> (0)>
#map2 = affine_map<(d0, d1) -> (0, 0, 0)>
module attributes {stable_mosaic.version = 14 : i64} {
  func.func @body(%arg0: i32, %arg1: i32, %arg2: memref<50000x32xf32, #tpu.memory_space<hbm>>, %arg3: memref<50000x32xf32, #tpu.memory_space<hbm>>, %arg4: memref<800000xi32, #tpu.memory_space<hbm>>, %arg5: memref<800000xi32, #tpu.memory_space<hbm>>, %arg6: memref<50048x32xf32, #tpu.memory_space<hbm>>, %arg7: memref<2x50048x32xf32, #tpu.memory_space<hbm>>, %arg8: memref<400xi32, #tpu.memory_space<vmem>>, %arg9: memref<400xi32, #tpu.memory_space<vmem>>, %arg10: memref<400x32xf32, #tpu.memory_space<vmem>>, %arg11: memref<50048x32xf32, #tpu.memory_space<vmem_shared>>, %arg12: memref<!tpu.dma_semaphore, #tpu.memory_space<semaphore_mem>>) attributes {dimension_semantics = [#tpu.dimension_semantics<core_parallel>, #tpu.dimension_semantics<subcore_parallel>], iteration_bounds = array<i64: 2, 16>, scalar_prefetch = 0 : i64, scratch_operands = 5 : i64, tpu.core_type = #tpu.core_type<sc_vector_subcore>, window_params = [{transform_indices = #map}, {transform_indices = #map}, {transform_indices = #map1}, {transform_indices = #map1}, {transform_indices = #map}, {transform_indices = #map2}]} {
    %mul3A = arith.constant 3128 : i32
    %mul3A_0 = arith.muli %arg1, %mul3A : i32
    "tpu.region"() ({
      %run_scoped3A = tpu.sem_alloc : memref<!tpu.dma_semaphore, #tpu.memory_space<semaphore_mem>>
      %dma_start3A = arith.constant 0 : i32
      %dma_start3A_9 = tpu.memref_slice %arg11[%mul3A_0, %dma_start3A] : memref<50048x32xf32, #tpu.memory_space<vmem_shared>> -> memref<3128x32xf32, #tpu.memory_space<vmem_shared>>
      %dma_start3A_10 = arith.constant 0 : i32
      %dma_start3A_11 = tpu.memref_slice %arg6[%mul3A_0, %dma_start3A_10] : memref<50048x32xf32, #tpu.memory_space<hbm>> -> memref<3128x32xf32, #tpu.memory_space<hbm>>
      tpu.enqueue_dma source(%dma_start3A_11 : memref<3128x32xf32, #tpu.memory_space<hbm>>) target(%dma_start3A_9 : memref<3128x32xf32, #tpu.memory_space<vmem_shared>>) target_semaphore(%run_scoped3A : memref<!tpu.dma_semaphore, #tpu.memory_space<semaphore_mem>>)
      %dma_wait3A = arith.constant 0 : i32
      %dma_wait3A_12 = tpu.memref_slice %arg11[%mul3A_0, %dma_wait3A] : memref<50048x32xf32, #tpu.memory_space<vmem_shared>> -> memref<3128x32xf32, #tpu.memory_space<vmem_shared>>
      %dma_wait3A_13 = arith.constant 0 : i32
      %dma_wait3A_14 = tpu.memref_slice %arg6[%mul3A_0, %dma_wait3A_13] : memref<50048x32xf32, #tpu.memory_space<hbm>> -> memref<3128x32xf32, #tpu.memory_space<hbm>>
      tpu.wait_dma2 semaphore(%run_scoped3A : memref<!tpu.dma_semaphore, #tpu.memory_space<semaphore_mem>>) src(%dma_wait3A_14 : memref<3128x32xf32, #tpu.memory_space<hbm>>) dst(%dma_wait3A_12 : memref<3128x32xf32, #tpu.memory_space<vmem_shared>>)
      tpu.yield
    }) : () -> ()
    %barrier3A = arith.constant 0 : index
    tpu.barrier barrier_id(%barrier3A)
    %mul3A_1 = arith.constant 50000 : i32
    %mul3A_2 = arith.muli %arg1, %mul3A_1 : i32
    %scan3A = arith.constant 0 : i32
    %scan3A_3 = arith.constant 0 : i32
    %scan3A_4 = arith.constant 125 : i32
    %scan3A_5 = arith.addi %scan3A_3, %scan3A_4 : i32
    %scan3A_6 = arith.constant 1 : i32
    scf.for %scan3A_9 = %scan3A_3 to %scan3A_5 step %scan3A_6  : i32 {
      %mul3A_10 = arith.constant 400 : i32
      %mul3A_11 = arith.muli %scan3A_9, %mul3A_10 : i32
      %add3A = arith.addi %mul3A_2, %mul3A_11 : i32
      "tpu.region"() ({
        %run_scoped3A = tpu.sem_alloc : memref<!tpu.dma_semaphore, #tpu.memory_space<semaphore_mem>>
        %dma_start3A = tpu.memref_slice %arg4[%add3A] : memref<800000xi32, #tpu.memory_space<hbm>> -> memref<400xi32, #tpu.memory_space<hbm>>
        %dma_start3A_19 = tpu.memref_slice %arg4[%add3A] : memref<800000xi32, #tpu.memory_space<hbm>> -> memref<400xi32, #tpu.memory_space<hbm>>
        tpu.enqueue_dma source(%dma_start3A_19 : memref<400xi32, #tpu.memory_space<hbm>>) target(%arg8 : memref<400xi32, #tpu.memory_space<vmem>>) target_semaphore(%run_scoped3A : memref<!tpu.dma_semaphore, #tpu.memory_space<semaphore_mem>>)
        %dma_wait3A = tpu.memref_slice %arg4[%add3A] : memref<800000xi32, #tpu.memory_space<hbm>> -> memref<400xi32, #tpu.memory_space<hbm>>
        %dma_wait3A_20 = tpu.memref_slice %arg4[%add3A] : memref<800000xi32, #tpu.memory_space<hbm>> -> memref<400xi32, #tpu.memory_space<hbm>>
        tpu.wait_dma2 semaphore(%run_scoped3A : memref<!tpu.dma_semaphore, #tpu.memory_space<semaphore_mem>>) src(%dma_wait3A_20 : memref<400xi32, #tpu.memory_space<hbm>>) dst(%arg8 : memref<400xi32, #tpu.memory_space<vmem>>)
        tpu.yield
      }) : () -> ()
      "tpu.region"() ({
        %run_scoped3A = tpu.sem_alloc : memref<!tpu.dma_semaphore, #tpu.memory_space<semaphore_mem>>
        %dma_start3A = tpu.memref_slice %arg5[%add3A] : memref<800000xi32, #tpu.memory_space<hbm>> -> memref<400xi32, #tpu.memory_space<hbm>>
        %dma_start3A_19 = tpu.memref_slice %arg5[%add3A] : memref<800000xi32, #tpu.memory_space<hbm>> -> memref<400xi32, #tpu.memory_space<hbm>>
        tpu.enqueue_dma source(%dma_start3A_19 : memref<400xi32, #tpu.memory_space<hbm>>) target(%arg9 : memref<400xi32, #tpu.memory_space<vmem>>) target_semaphore(%run_scoped3A : memref<!tpu.dma_semaphore, #tpu.memory_space<semaphore_mem>>)
        %dma_wait3A = tpu.memref_slice %arg5[%add3A] : memref<800000xi32, #tpu.memory_space<hbm>> -> memref<400xi32, #tpu.memory_space<hbm>>
        %dma_wait3A_20 = tpu.memref_slice %arg5[%add3A] : memref<800000xi32, #tpu.memory_space<hbm>> -> memref<400xi32, #tpu.memory_space<hbm>>
        tpu.wait_dma2 semaphore(%run_scoped3A : memref<!tpu.dma_semaphore, #tpu.memory_space<semaphore_mem>>) src(%dma_wait3A_20 : memref<400xi32, #tpu.memory_space<hbm>>) dst(%arg9 : memref<400xi32, #tpu.memory_space<vmem>>)
        tpu.yield
      }) : () -> ()
      %eq3A = arith.constant 0 : i32
      %eq3A_12 = arith.cmpi eq, %arg0, %eq3A : i32
      %convert_element_type3A = arith.extui %eq3A_12 : i1 to i32
      %cond3A = arith.constant 0 : i32
      %cond3A_13 = arith.cmpi ne, %convert_element_type3A, %cond3A : i32
      scf.if %cond3A_13 {
        %dma_start3A = arith.constant 0 : i32
        %dma_start3A_19 = arith.constant 0 : i32
        %dma_start3A_20 = tpu.memref_slice %arg2[%dma_start3A, %dma_start3A_19] : memref<50000x32xf32, #tpu.memory_space<hbm>> -> memref<50000x32xf32, #tpu.memory_space<hbm>>
        tpu.enqueue_indirect_dma source(%dma_start3A_20 : memref<50000x32xf32, #tpu.memory_space<hbm>>) target(%arg10 : memref<400x32xf32, #tpu.memory_space<vmem>>) offsets(%arg8 : memref<400xi32, #tpu.memory_space<vmem>>) semaphore(%arg12 : memref<!tpu.dma_semaphore, #tpu.memory_space<semaphore_mem>>)
        %dma_wait3A = arith.constant 0 : i32
        %dma_wait3A_21 = arith.constant 0 : i32
        %dma_wait3A_22 = tpu.memref_slice %arg2[%dma_wait3A, %dma_wait3A_21] : memref<50000x32xf32, #tpu.memory_space<hbm>> -> memref<50000x32xf32, #tpu.memory_space<hbm>>
        tpu.wait_indirect_dma semaphore(%arg12 : memref<!tpu.dma_semaphore, #tpu.memory_space<semaphore_mem>>) src(%dma_wait3A_22 : memref<50000x32xf32, #tpu.memory_space<hbm>>) dst(%arg10 : memref<400x32xf32, #tpu.memory_space<vmem>>)
      } else {
      }
      %eq3A_14 = arith.constant 1 : i32
      %eq3A_15 = arith.cmpi eq, %arg0, %eq3A_14 : i32
      %convert_element_type3A_16 = arith.extui %eq3A_15 : i1 to i32
      %cond3A_17 = arith.constant 0 : i32
      %cond3A_18 = arith.cmpi ne, %convert_element_type3A_16, %cond3A_17 : i32
      scf.if %cond3A_18 {
        %dma_start3A = arith.constant 0 : i32
        %dma_start3A_19 = arith.constant 0 : i32
        %dma_start3A_20 = tpu.memref_slice %arg3[%dma_start3A, %dma_start3A_19] : memref<50000x32xf32, #tpu.memory_space<hbm>> -> memref<50000x32xf32, #tpu.memory_space<hbm>>
        tpu.enqueue_indirect_dma source(%dma_start3A_20 : memref<50000x32xf32, #tpu.memory_space<hbm>>) target(%arg10 : memref<400x32xf32, #tpu.memory_space<vmem>>) offsets(%arg8 : memref<400xi32, #tpu.memory_space<vmem>>) semaphore(%arg12 : memref<!tpu.dma_semaphore, #tpu.memory_space<semaphore_mem>>)
        %dma_wait3A = arith.constant 0 : i32
        %dma_wait3A_21 = arith.constant 0 : i32
        %dma_wait3A_22 = tpu.memref_slice %arg3[%dma_wait3A, %dma_wait3A_21] : memref<50000x32xf32, #tpu.memory_space<hbm>> -> memref<50000x32xf32, #tpu.memory_space<hbm>>
        tpu.wait_indirect_dma semaphore(%arg12 : memref<!tpu.dma_semaphore, #tpu.memory_space<semaphore_mem>>) src(%dma_wait3A_22 : memref<50000x32xf32, #tpu.memory_space<hbm>>) dst(%arg10 : memref<400x32xf32, #tpu.memory_space<vmem>>)
      } else {
      }
      "tpu.region"() ({
        %run_scoped3A = tpu.sem_alloc : memref<!tpu.dma_semaphore, #tpu.memory_space<semaphore_mem>>
        %dma_start3A = arith.constant 0 : i32
        %dma_start3A_19 = arith.constant 0 : i32
        %dma_start3A_20 = tpu.memref_slice %arg11[%dma_start3A, %dma_start3A_19] : memref<50048x32xf32, #tpu.memory_space<vmem_shared>> -> memref<50048x32xf32, #tpu.memory_space<vmem_shared>>
        tpu.enqueue_indirect_dma source(%arg10 : memref<400x32xf32, #tpu.memory_space<vmem>>) target(%dma_start3A_20 : memref<50048x32xf32, #tpu.memory_space<vmem_shared>>) offsets(%arg9 : memref<400xi32, #tpu.memory_space<vmem>>) semaphore(%run_scoped3A : memref<!tpu.dma_semaphore, #tpu.memory_space<semaphore_mem>>) {add = true}
        %dma_wait3A = arith.constant 0 : i32
        %dma_wait3A_21 = arith.constant 0 : i32
        %dma_wait3A_22 = tpu.memref_slice %arg11[%dma_wait3A, %dma_wait3A_21] : memref<50048x32xf32, #tpu.memory_space<vmem_shared>> -> memref<50048x32xf32, #tpu.memory_space<vmem_shared>>
        tpu.wait_indirect_dma semaphore(%run_scoped3A : memref<!tpu.dma_semaphore, #tpu.memory_space<semaphore_mem>>) src(%arg10 : memref<400x32xf32, #tpu.memory_space<vmem>>) dst(%dma_wait3A_22 : memref<50048x32xf32, #tpu.memory_space<vmem_shared>>)
        tpu.yield
      }) : () -> ()
    }
    %scan3A_7 = arith.constant 125 : i32
    %barrier3A_8 = arith.constant 0 : index
    tpu.barrier barrier_id(%barrier3A_8)
    "tpu.region"() ({
      %run_scoped3A = tpu.sem_alloc : memref<!tpu.dma_semaphore, #tpu.memory_space<semaphore_mem>>
      %dma_start3A = arith.constant 0 : i32
      %dma_start3A_9 = tpu.memref_slice %arg7[%arg0, %mul3A_0, %dma_start3A] : memref<2x50048x32xf32, #tpu.memory_space<hbm>> -> memref<1x3128x32xf32, #tpu.memory_space<hbm>>
      %dma_start3A_10 = tpu.memref_squeeze %dma_start3A_9 : memref<1x3128x32xf32, #tpu.memory_space<hbm>> -> memref<3128x32xf32, #tpu.memory_space<hbm>>
      %dma_start3A_11 = arith.constant 0 : i32
      %dma_start3A_12 = tpu.memref_slice %arg11[%mul3A_0, %dma_start3A_11] : memref<50048x32xf32, #tpu.memory_space<vmem_shared>> -> memref<3128x32xf32, #tpu.memory_space<vmem_shared>>
      tpu.enqueue_dma source(%dma_start3A_12 : memref<3128x32xf32, #tpu.memory_space<vmem_shared>>) target(%dma_start3A_10 : memref<3128x32xf32, #tpu.memory_space<hbm>>) target_semaphore(%run_scoped3A : memref<!tpu.dma_semaphore, #tpu.memory_space<semaphore_mem>>)
      %dma_wait3A = arith.constant 0 : i32
      %dma_wait3A_13 = tpu.memref_slice %arg7[%arg0, %mul3A_0, %dma_wait3A] : memref<2x50048x32xf32, #tpu.memory_space<hbm>> -> memref<1x3128x32xf32, #tpu.memory_space<hbm>>
      %dma_wait3A_14 = tpu.memref_squeeze %dma_wait3A_13 : memref<1x3128x32xf32, #tpu.memory_space<hbm>> -> memref<3128x32xf32, #tpu.memory_space<hbm>>
      %dma_wait3A_15 = arith.constant 0 : i32
      %dma_wait3A_16 = tpu.memref_slice %arg11[%mul3A_0, %dma_wait3A_15] : memref<50048x32xf32, #tpu.memory_space<vmem_shared>> -> memref<3128x32xf32, #tpu.memory_space<vmem_shared>>
      tpu.wait_dma2 semaphore(%run_scoped3A : memref<!tpu.dma_semaphore, #tpu.memory_space<semaphore_mem>>) src(%dma_wait3A_16 : memref<3128x32xf32, #tpu.memory_space<vmem_shared>>) dst(%dma_wait3A_14 : memref<3128x32xf32, #tpu.memory_space<hbm>>)
      tpu.yield
    }) : () -> ()
    return
  }
}

module attributes {stable_mosaic.version = 14 : i64} {
  func.func @body(%arg0: i32, %arg1: memref<1000x2xf32, #tpu.memory_space<vmem>>, %arg2: memref<2x1000x8xf32, #tpu.memory_space<vmem>>, %arg3: memref<2x64xf32, #tpu.memory_space<vmem>>, %arg4: memref<1x64xf32, #tpu.memory_space<vmem>>, %arg5: memref<64x64xf32, #tpu.memory_space<vmem>>, %arg6: memref<1x64xf32, #tpu.memory_space<vmem>>, %arg7: memref<1000x32xf32, #tpu.memory_space<vmem>>, %arg8: memref<1000x32xf32, #tpu.memory_space<vmem>>, %arg9: memref<1000x8xf32, #tpu.memory_space<vmem>>, %arg10: memref<2x64xf32, #tpu.memory_space<vmem>>) attributes {dimension_semantics = [#tpu.dimension_semantics<arbitrary>], iteration_bounds = array<i64: 50>, scalar_prefetch = 0 : i64, scratch_operands = 0 : i64, tpu.core_type = #tpu.core_type<tc>, window_params = [{transform_indices = @transform_0, window_bounds = array<i64: 1000, 2>}, {transform_indices = @transform_1, window_bounds = array<i64: 2, 1000, 8>}, {pipeline_mode = #tpu.pipeline_mode<synchronous>, transform_indices = @transform_2, window_bounds = array<i64: 2, 64>}, {pipeline_mode = #tpu.pipeline_mode<synchronous>, transform_indices = @transform_3, window_bounds = array<i64: 1, 64>}, {pipeline_mode = #tpu.pipeline_mode<synchronous>, transform_indices = @transform_4, window_bounds = array<i64: 64, 64>}, {pipeline_mode = #tpu.pipeline_mode<synchronous>, transform_indices = @transform_5, window_bounds = array<i64: 1, 64>}, {transform_indices = @transform_6, window_bounds = array<i64: 1000, 32>}, {transform_indices = @transform_7, window_bounds = array<i64: 1000, 32>}, {transform_indices = @transform_8, window_bounds = array<i64: 1000, 8>}, {pipeline_mode = #tpu.pipeline_mode<synchronous>, transform_indices = @transform_9, window_bounds = array<i64: 2, 64>}]} {
    %get3A = arith.constant 0 : index
    %get3A_0 = arith.constant 0 : index
    %get3A_1 = arith.constant 0 : index
    %get3A_2 = vector.load %arg2[%get3A, %get3A_0, %get3A_1] : memref<2x1000x8xf32, #tpu.memory_space<vmem>>, vector<1x1000x8xf32>
    %get3A_3 = vector.shape_cast %get3A_2 : vector<1x1000x8xf32> to vector<1000x8xf32>
    %get3A_4 = arith.constant 1 : index
    %get3A_5 = arith.constant 0 : index
    %get3A_6 = arith.constant 0 : index
    %get3A_7 = vector.load %arg2[%get3A_4, %get3A_5, %get3A_6] : memref<2x1000x8xf32, #tpu.memory_space<vmem>>, vector<1x1000x8xf32>
    %get3A_8 = vector.shape_cast %get3A_7 : vector<1x1000x8xf32> to vector<1000x8xf32>
    %add3A = arith.addf %get3A_3, %get3A_8 : vector<1000x8xf32>
    %get3A_9 = arith.constant 0 : index
    %get3A_10 = arith.constant 0 : index
    %get3A_11 = vector.load %arg1[%get3A_9, %get3A_10] : memref<1000x2xf32, #tpu.memory_space<vmem>>, vector<1000x2xf32>
    %slice3A = vector.extract_strided_slice %add3A {offsets = [0, 0], sizes = [1000, 2], strides = [1, 1]} : vector<1000x8xf32> to vector<1000x2xf32>
    %add3A_12 = arith.addf %get3A_11, %slice3A : vector<1000x2xf32>
    %get3A_13 = arith.constant 0 : index
    %get3A_14 = arith.constant 0 : index
    %get3A_15 = vector.load %arg3[%get3A_13, %get3A_14] : memref<2x64xf32, #tpu.memory_space<vmem>>, vector<2x64xf32>
    %dot_general3A = arith.constant dense<0.000000e+00> : vector<1000x64xf32>
    %dot_general3A_16 = tpu.matmul %add3A_12, %get3A_15, %dot_general3A {dimension_numbers = #tpu.dot_dimension_numbers<[1], [0], [0], [1], [0, 0, 1, 1], [], []>, transpose_lhs_hint = false} : vector<1000x2xf32>, vector<2x64xf32>, vector<1000x64xf32> -> vector<1000x64xf32>
    %get3A_17 = arith.constant 0 : index
    %get3A_18 = arith.constant 0 : index
    %get3A_19 = vector.load %arg4[%get3A_17, %get3A_18] : memref<1x64xf32, #tpu.memory_space<vmem>>, vector<1x64xf32>
    %add3A_20 = vector.broadcast %get3A_19 : vector<1x64xf32> to vector<1000x64xf32>
    %add3A_21 = arith.addf %dot_general3A_16, %add3A_20 : vector<1000x64xf32>
    %max3A = arith.constant 0.000000e+00 : f32
    %max3A_22 = vector.broadcast %max3A : f32 to vector<1000x64xf32>
    %max3A_23 = arith.maximumf %add3A_21, %max3A_22 : vector<1000x64xf32>
    %get3A_24 = arith.constant 0 : index
    %get3A_25 = arith.constant 0 : index
    %get3A_26 = vector.load %arg5[%get3A_24, %get3A_25] : memref<64x64xf32, #tpu.memory_space<vmem>>, vector<64x64xf32>
    %dot_general3A_27 = arith.constant dense<0.000000e+00> : vector<1000x64xf32>
    %dot_general3A_28 = tpu.matmul %max3A_23, %get3A_26, %dot_general3A_27 {dimension_numbers = #tpu.dot_dimension_numbers<[1], [0], [0], [1], [0, 0, 1, 1], [], []>, transpose_lhs_hint = false} : vector<1000x64xf32>, vector<64x64xf32>, vector<1000x64xf32> -> vector<1000x64xf32>
    %get3A_29 = arith.constant 0 : index
    %get3A_30 = arith.constant 0 : index
    %get3A_31 = vector.load %arg6[%get3A_29, %get3A_30] : memref<1x64xf32, #tpu.memory_space<vmem>>, vector<1x64xf32>
    %add3A_32 = vector.broadcast %get3A_31 : vector<1x64xf32> to vector<1000x64xf32>
    %add3A_33 = arith.addf %dot_general3A_28, %add3A_32 : vector<1000x64xf32>
    %max3A_34 = arith.constant 0.000000e+00 : f32
    %max3A_35 = vector.broadcast %max3A_34 : f32 to vector<1000x64xf32>
    %max3A_36 = arith.maximumf %add3A_33, %max3A_35 : vector<1000x64xf32>
    %slice3A_37 = vector.extract_strided_slice %max3A_36 {offsets = [0, 0], sizes = [1000, 32], strides = [1, 1]} : vector<1000x64xf32> to vector<1000x32xf32>
    %swap3A = arith.constant 0 : index
    %swap3A_38 = arith.constant 0 : index
    %swap3A_39 = vector.load %arg7[%swap3A, %swap3A_38] : memref<1000x32xf32, #tpu.memory_space<vmem>>, vector<1000x32xf32>
    tpu.vector_store %arg7[%swap3A, %swap3A_38], %slice3A_37 {strides = array<i32>} : memref<1000x32xf32, #tpu.memory_space<vmem>>, vector<1000x32xf32>,
    %slice3A_40 = vector.extract_strided_slice %max3A_36 {offsets = [0, 32], sizes = [1000, 32], strides = [1, 1]} : vector<1000x64xf32> to vector<1000x32xf32>
    %swap3A_41 = arith.constant 0 : index
    %swap3A_42 = arith.constant 0 : index
    %swap3A_43 = vector.load %arg8[%swap3A_41, %swap3A_42] : memref<1000x32xf32, #tpu.memory_space<vmem>>, vector<1000x32xf32>
    tpu.vector_store %arg8[%swap3A_41, %swap3A_42], %slice3A_40 {strides = array<i32>} : memref<1000x32xf32, #tpu.memory_space<vmem>>, vector<1000x32xf32>,
    %slice3A_44 = vector.extract_strided_slice %add3A {offsets = [0, 2], sizes = [1000, 1], strides = [1, 1]} : vector<1000x8xf32> to vector<1000x1xf32>
    %add3A_45 = arith.constant 1.000000e+00 : f32
    %add3A_46 = vector.broadcast %add3A_45 : f32 to vector<1000x1xf32>
    %add3A_47 = arith.addf %add3A_46, %slice3A_44 : vector<1000x1xf32>
    %broadcast_in_dim3A = vector.shape_cast %add3A_47 : vector<1000x1xf32> to vector<1000x1xf32>
    %broadcast_in_dim3A_48 = vector.broadcast %broadcast_in_dim3A : vector<1000x1xf32> to vector<1000x8xf32>
    %swap3A_49 = arith.constant 0 : index
    %swap3A_50 = arith.constant 0 : index
    %swap3A_51 = vector.load %arg9[%swap3A_49, %swap3A_50] : memref<1000x8xf32, #tpu.memory_space<vmem>>, vector<1000x8xf32>
    tpu.vector_store %arg9[%swap3A_49, %swap3A_50], %broadcast_in_dim3A_48 {strides = array<i32>} : memref<1000x8xf32, #tpu.memory_space<vmem>>, vector<1000x8xf32>,
    %eq3A = arith.constant 0 : i32
    %eq3A_52 = arith.cmpi eq, %arg0, %eq3A : i32
    %convert_element_type3A = arith.extui %eq3A_52 : i1 to i32
    %cond3A = arith.constant 0 : i32
    %cond3A_53 = arith.cmpi ne, %convert_element_type3A, %cond3A : i32
    scf.if %cond3A_53 {
      %broadcast_in_dim3A_73 = arith.constant 0.000000e+00 : f32
      %broadcast_in_dim3A_74 = vector.broadcast %broadcast_in_dim3A_73 : f32 to vector<2x64xf32>
      %swap3A_75 = arith.constant 0 : index
      %swap3A_76 = arith.constant 0 : index
      %swap3A_77 = vector.load %arg10[%swap3A_75, %swap3A_76] : memref<2x64xf32, #tpu.memory_space<vmem>>, vector<2x64xf32>
      tpu.vector_store %arg10[%swap3A_75, %swap3A_76], %broadcast_in_dim3A_74 {strides = array<i32>} : memref<2x64xf32, #tpu.memory_space<vmem>>, vector<2x64xf32>,
    } else {
    }
    %get3A_54 = arith.constant 0 : index
    %get3A_55 = arith.constant 0 : index
    %get3A_56 = vector.load %arg10[%get3A_54, %get3A_55] : memref<2x64xf32, #tpu.memory_space<vmem>>, vector<1x64xf32>
    %reduce_sum3A = arith.constant dense<0.000000e+00> : vector<64xf32>
    %reduce_sum3A_57 = vector.multi_reduction <add>, %max3A_36, %reduce_sum3A [0] : vector<1000x64xf32> to vector<64xf32>
    %broadcast_in_dim3A_58 = vector.shape_cast %reduce_sum3A_57 : vector<64xf32> to vector<1x64xf32>
    %add3A_59 = arith.addf %get3A_56, %broadcast_in_dim3A_58 : vector<1x64xf32>
    %swap3A_60 = arith.constant 0 : index
    %swap3A_61 = arith.constant 0 : index
    %swap3A_62 = vector.load %arg10[%swap3A_60, %swap3A_61] : memref<2x64xf32, #tpu.memory_space<vmem>>, vector<1x64xf32>
    tpu.vector_store %arg10[%swap3A_60, %swap3A_61], %add3A_59 {strides = array<i32>} : memref<2x64xf32, #tpu.memory_space<vmem>>, vector<1x64xf32>,
    %get3A_63 = arith.constant 1 : index
    %get3A_64 = arith.constant 0 : index
    %get3A_65 = vector.load %arg10[%get3A_63, %get3A_64] : memref<2x64xf32, #tpu.memory_space<vmem>>, vector<1x64xf32>
    %mul3A = arith.mulf %max3A_36, %max3A_36 : vector<1000x64xf32>
    %reduce_sum3A_66 = arith.constant dense<0.000000e+00> : vector<64xf32>
    %reduce_sum3A_67 = vector.multi_reduction <add>, %mul3A, %reduce_sum3A_66 [0] : vector<1000x64xf32> to vector<64xf32>
    %broadcast_in_dim3A_68 = vector.shape_cast %reduce_sum3A_67 : vector<64xf32> to vector<1x64xf32>
    %add3A_69 = arith.addf %get3A_65, %broadcast_in_dim3A_68 : vector<1x64xf32>
    %swap3A_70 = arith.constant 1 : index
    %swap3A_71 = arith.constant 0 : index
    %swap3A_72 = vector.load %arg10[%swap3A_70, %swap3A_71] : memref<2x64xf32, #tpu.memory_space<vmem>>, vector<1x64xf32>
    tpu.vector_store %arg10[%swap3A_70, %swap3A_71], %add3A_69 {strides = array<i32>} : memref<2x64xf32, #tpu.memory_space<vmem>>, vector<1x64xf32>,
    return
  }
  func.func @transform_0(%arg0: i32) -> (i32, i32) {
    %c0_i32 = arith.constant 0 : i32
    %c0_i32_0 = arith.constant 0 : i32
    return %arg0, %c0_i32 : i32, i32
  }
  func.func @transform_1(%arg0: i32) -> (i32, i32, i32) {
    %c0_i32 = arith.constant 0 : i32
    %c0_i32_0 = arith.constant 0 : i32
    %c0_i32_1 = arith.constant 0 : i32
    return %c0_i32, %arg0, %c0_i32_0 : i32, i32, i32
  }
  func.func @transform_2(%arg0: i32) -> (i32, i32) {
    %c0_i32 = arith.constant 0 : i32
    %c0_i32_0 = arith.constant 0 : i32
    %c0_i32_1 = arith.constant 0 : i32
    return %c0_i32, %c0_i32_0 : i32, i32
  }
  func.func @transform_3(%arg0: i32) -> (i32, i32) {
    %c0_i32 = arith.constant 0 : i32
    %c0_i32_0 = arith.constant 0 : i32
    %c0_i32_1 = arith.constant 0 : i32
    return %c0_i32, %c0_i32_0 : i32, i32
  }
  func.func @transform_4(%arg0: i32) -> (i32, i32) {
    %c0_i32 = arith.constant 0 : i32
    %c0_i32_0 = arith.constant 0 : i32
    %c0_i32_1 = arith.constant 0 : i32
    return %c0_i32, %c0_i32_0 : i32, i32
  }
  func.func @transform_5(%arg0: i32) -> (i32, i32) {
    %c0_i32 = arith.constant 0 : i32
    %c0_i32_0 = arith.constant 0 : i32
    %c0_i32_1 = arith.constant 0 : i32
    return %c0_i32, %c0_i32_0 : i32, i32
  }
  func.func @transform_6(%arg0: i32) -> (i32, i32) {
    %c0_i32 = arith.constant 0 : i32
    %c0_i32_0 = arith.constant 0 : i32
    return %arg0, %c0_i32 : i32, i32
  }
  func.func @transform_7(%arg0: i32) -> (i32, i32) {
    %c0_i32 = arith.constant 0 : i32
    %c0_i32_0 = arith.constant 0 : i32
    return %arg0, %c0_i32 : i32, i32
  }
  func.func @transform_8(%arg0: i32) -> (i32, i32) {
    %c0_i32 = arith.constant 0 : i32
    %c0_i32_0 = arith.constant 0 : i32
    return %arg0, %c0_i32 : i32, i32
  }
  func.func @transform_9(%arg0: i32) -> (i32, i32) {
    %c0_i32 = arith.constant 0 : i32
    %c0_i32_0 = arith.constant 0 : i32
    %c0_i32_1 = arith.constant 0 : i32
    return %c0_i32, %c0_i32_0 : i32, i32
  }
}

module attributes {stable_mosaic.version = 14 : i64} {
  func.func @body(%arg0: i32, %arg1: memref<1000x32xf32, #tpu.memory_space<vmem>>, %arg2: memref<1000x32xf32, #tpu.memory_space<vmem>>, %arg3: memref<2x1000x32xf32, #tpu.memory_space<vmem>>, %arg4: memref<1000x8xf32, #tpu.memory_space<vmem>>, %arg5: memref<2x64xf32, #tpu.memory_space<vmem>>, %arg6: memref<64x64xf32, #tpu.memory_space<vmem>>, %arg7: memref<1x64xf32, #tpu.memory_space<vmem>>, %arg8: memref<64x64xf32, #tpu.memory_space<vmem>>, %arg9: memref<1x64xf32, #tpu.memory_space<vmem>>, %arg10: memref<1000x32xf32, #tpu.memory_space<vmem>>, %arg11: memref<1000x32xf32, #tpu.memory_space<vmem>>, %arg12: memref<2x64xf32, #tpu.memory_space<vmem>>) attributes {dimension_semantics = [#tpu.dimension_semantics<arbitrary>], iteration_bounds = array<i64: 50>, scalar_prefetch = 0 : i64, scratch_operands = 0 : i64, tpu.core_type = #tpu.core_type<tc>, window_params = [{transform_indices = @transform_0, window_bounds = array<i64: 1000, 32>}, {transform_indices = @transform_1, window_bounds = array<i64: 1000, 32>}, {transform_indices = @transform_2, window_bounds = array<i64: 2, 1000, 32>}, {transform_indices = @transform_3, window_bounds = array<i64: 1000, 8>}, {pipeline_mode = #tpu.pipeline_mode<synchronous>, transform_indices = @transform_4, window_bounds = array<i64: 2, 64>}, {pipeline_mode = #tpu.pipeline_mode<synchronous>, transform_indices = @transform_5, window_bounds = array<i64: 64, 64>}, {pipeline_mode = #tpu.pipeline_mode<synchronous>, transform_indices = @transform_6, window_bounds = array<i64: 1, 64>}, {pipeline_mode = #tpu.pipeline_mode<synchronous>, transform_indices = @transform_7, window_bounds = array<i64: 64, 64>}, {pipeline_mode = #tpu.pipeline_mode<synchronous>, transform_indices = @transform_8, window_bounds = array<i64: 1, 64>}, {transform_indices = @transform_9, window_bounds = array<i64: 1000, 32>}, {transform_indices = @transform_10, window_bounds = array<i64: 1000, 32>}, {pipeline_mode = #tpu.pipeline_mode<synchronous>, transform_indices = @transform_11, window_bounds = array<i64: 2, 64>}]} {
    %get3A = arith.constant 0 : index
    %get3A_0 = arith.constant 0 : index
    %get3A_1 = vector.load %arg1[%get3A, %get3A_0] : memref<1000x32xf32, #tpu.memory_space<vmem>>, vector<1000x32xf32>
    %get3A_2 = arith.constant 0 : index
    %get3A_3 = arith.constant 0 : index
    %get3A_4 = vector.load %arg2[%get3A_2, %get3A_3] : memref<1000x32xf32, #tpu.memory_space<vmem>>, vector<1000x32xf32>
    %concatenate3A = tpu.concatenate %get3A_1, %get3A_4 in 1 : vector<1000x32xf32>, vector<1000x32xf32> -> vector<1000x64xf32>
    %get3A_5 = arith.constant 0 : index
    %get3A_6 = arith.constant 0 : index
    %get3A_7 = arith.constant 0 : index
    %get3A_8 = vector.load %arg3[%get3A_5, %get3A_6, %get3A_7] : memref<2x1000x32xf32, #tpu.memory_space<vmem>>, vector<1x1000x32xf32>
    %get3A_9 = vector.shape_cast %get3A_8 : vector<1x1000x32xf32> to vector<1000x32xf32>
    %get3A_10 = arith.constant 1 : index
    %get3A_11 = arith.constant 0 : index
    %get3A_12 = arith.constant 0 : index
    %get3A_13 = vector.load %arg3[%get3A_10, %get3A_11, %get3A_12] : memref<2x1000x32xf32, #tpu.memory_space<vmem>>, vector<1x1000x32xf32>
    %get3A_14 = vector.shape_cast %get3A_13 : vector<1x1000x32xf32> to vector<1000x32xf32>
    %concatenate3A_15 = tpu.concatenate %get3A_9, %get3A_14 in 1 : vector<1000x32xf32>, vector<1000x32xf32> -> vector<1000x64xf32>
    %get3A_16 = arith.constant 0 : index
    %get3A_17 = arith.constant 0 : index
    %get3A_18 = vector.load %arg5[%get3A_16, %get3A_17] : memref<2x64xf32, #tpu.memory_space<vmem>>, vector<1x64xf32>
    %add3A = arith.addf %concatenate3A, %concatenate3A_15 : vector<1000x64xf32>
    %mul3A = vector.broadcast %get3A_18 : vector<1x64xf32> to vector<1000x64xf32>
    %mul3A_19 = arith.mulf %mul3A, %add3A : vector<1000x64xf32>
    %get3A_20 = arith.constant 0 : index
    %get3A_21 = arith.constant 0 : index
    %get3A_22 = vector.load %arg4[%get3A_20, %get3A_21] : memref<1000x8xf32, #tpu.memory_space<vmem>>, vector<1000x8xf32>
    %slice3A = vector.extract_strided_slice %get3A_22 {offsets = [0, 0], sizes = [1000, 1], strides = [1, 1]} : vector<1000x8xf32> to vector<1000x1xf32>
    %get3A_23 = arith.constant 1 : index
    %get3A_24 = arith.constant 0 : index
    %get3A_25 = vector.load %arg5[%get3A_23, %get3A_24] : memref<2x64xf32, #tpu.memory_space<vmem>>, vector<1x64xf32>
    %mul3A_26 = vector.broadcast %slice3A : vector<1000x1xf32> to vector<1000x64xf32>
    %mul3A_27 = vector.broadcast %get3A_25 : vector<1x64xf32> to vector<1000x64xf32>
    %mul3A_28 = arith.mulf %mul3A_26, %mul3A_27 : vector<1000x64xf32>
    %add3A_29 = arith.addf %mul3A_19, %mul3A_28 : vector<1000x64xf32>
    %get3A_30 = arith.constant 0 : index
    %get3A_31 = arith.constant 0 : index
    %get3A_32 = vector.load %arg6[%get3A_30, %get3A_31] : memref<64x64xf32, #tpu.memory_space<vmem>>, vector<64x64xf32>
    %dot_general3A = arith.constant dense<0.000000e+00> : vector<1000x64xf32>
    %dot_general3A_33 = tpu.matmul %add3A_29, %get3A_32, %dot_general3A {dimension_numbers = #tpu.dot_dimension_numbers<[1], [0], [0], [1], [0, 0, 1, 1], [], []>, transpose_lhs_hint = false} : vector<1000x64xf32>, vector<64x64xf32>, vector<1000x64xf32> -> vector<1000x64xf32>
    %get3A_34 = arith.constant 0 : index
    %get3A_35 = arith.constant 0 : index
    %get3A_36 = vector.load %arg7[%get3A_34, %get3A_35] : memref<1x64xf32, #tpu.memory_space<vmem>>, vector<1x64xf32>
    %add3A_37 = vector.broadcast %get3A_36 : vector<1x64xf32> to vector<1000x64xf32>
    %add3A_38 = arith.addf %dot_general3A_33, %add3A_37 : vector<1000x64xf32>
    %max3A = arith.constant 0.000000e+00 : f32
    %max3A_39 = vector.broadcast %max3A : f32 to vector<1000x64xf32>
    %max3A_40 = arith.maximumf %add3A_38, %max3A_39 : vector<1000x64xf32>
    %get3A_41 = arith.constant 0 : index
    %get3A_42 = arith.constant 0 : index
    %get3A_43 = vector.load %arg8[%get3A_41, %get3A_42] : memref<64x64xf32, #tpu.memory_space<vmem>>, vector<64x64xf32>
    %dot_general3A_44 = arith.constant dense<0.000000e+00> : vector<1000x64xf32>
    %dot_general3A_45 = tpu.matmul %max3A_40, %get3A_43, %dot_general3A_44 {dimension_numbers = #tpu.dot_dimension_numbers<[1], [0], [0], [1], [0, 0, 1, 1], [], []>, transpose_lhs_hint = false} : vector<1000x64xf32>, vector<64x64xf32>, vector<1000x64xf32> -> vector<1000x64xf32>
    %get3A_46 = arith.constant 0 : index
    %get3A_47 = arith.constant 0 : index
    %get3A_48 = vector.load %arg9[%get3A_46, %get3A_47] : memref<1x64xf32, #tpu.memory_space<vmem>>, vector<1x64xf32>
    %add3A_49 = vector.broadcast %get3A_48 : vector<1x64xf32> to vector<1000x64xf32>
    %add3A_50 = arith.addf %dot_general3A_45, %add3A_49 : vector<1000x64xf32>
    %max3A_51 = arith.constant 0.000000e+00 : f32
    %max3A_52 = vector.broadcast %max3A_51 : f32 to vector<1000x64xf32>
    %max3A_53 = arith.maximumf %add3A_50, %max3A_52 : vector<1000x64xf32>
    %slice3A_54 = vector.extract_strided_slice %max3A_53 {offsets = [0, 0], sizes = [1000, 32], strides = [1, 1]} : vector<1000x64xf32> to vector<1000x32xf32>
    %swap3A = arith.constant 0 : index
    %swap3A_55 = arith.constant 0 : index
    %swap3A_56 = vector.load %arg10[%swap3A, %swap3A_55] : memref<1000x32xf32, #tpu.memory_space<vmem>>, vector<1000x32xf32>
    tpu.vector_store %arg10[%swap3A, %swap3A_55], %slice3A_54 {strides = array<i32>} : memref<1000x32xf32, #tpu.memory_space<vmem>>, vector<1000x32xf32>,
    %slice3A_57 = vector.extract_strided_slice %max3A_53 {offsets = [0, 32], sizes = [1000, 32], strides = [1, 1]} : vector<1000x64xf32> to vector<1000x32xf32>
    %swap3A_58 = arith.constant 0 : index
    %swap3A_59 = arith.constant 0 : index
    %swap3A_60 = vector.load %arg11[%swap3A_58, %swap3A_59] : memref<1000x32xf32, #tpu.memory_space<vmem>>, vector<1000x32xf32>
    tpu.vector_store %arg11[%swap3A_58, %swap3A_59], %slice3A_57 {strides = array<i32>} : memref<1000x32xf32, #tpu.memory_space<vmem>>, vector<1000x32xf32>,
    %eq3A = arith.constant 0 : i32
    %eq3A_61 = arith.cmpi eq, %arg0, %eq3A : i32
    %convert_element_type3A = arith.extui %eq3A_61 : i1 to i32
    %cond3A = arith.constant 0 : i32
    %cond3A_62 = arith.cmpi ne, %convert_element_type3A, %cond3A : i32
    scf.if %cond3A_62 {
      %broadcast_in_dim3A_82 = arith.constant 0.000000e+00 : f32
      %broadcast_in_dim3A_83 = vector.broadcast %broadcast_in_dim3A_82 : f32 to vector<2x64xf32>
      %swap3A_84 = arith.constant 0 : index
      %swap3A_85 = arith.constant 0 : index
      %swap3A_86 = vector.load %arg12[%swap3A_84, %swap3A_85] : memref<2x64xf32, #tpu.memory_space<vmem>>, vector<2x64xf32>
      tpu.vector_store %arg12[%swap3A_84, %swap3A_85], %broadcast_in_dim3A_83 {strides = array<i32>} : memref<2x64xf32, #tpu.memory_space<vmem>>, vector<2x64xf32>,
    } else {
    }
    %get3A_63 = arith.constant 0 : index
    %get3A_64 = arith.constant 0 : index
    %get3A_65 = vector.load %arg12[%get3A_63, %get3A_64] : memref<2x64xf32, #tpu.memory_space<vmem>>, vector<1x64xf32>
    %reduce_sum3A = arith.constant dense<0.000000e+00> : vector<64xf32>
    %reduce_sum3A_66 = vector.multi_reduction <add>, %max3A_53, %reduce_sum3A [0] : vector<1000x64xf32> to vector<64xf32>
    %broadcast_in_dim3A = vector.shape_cast %reduce_sum3A_66 : vector<64xf32> to vector<1x64xf32>
    %add3A_67 = arith.addf %get3A_65, %broadcast_in_dim3A : vector<1x64xf32>
    %swap3A_68 = arith.constant 0 : index
    %swap3A_69 = arith.constant 0 : index
    %swap3A_70 = vector.load %arg12[%swap3A_68, %swap3A_69] : memref<2x64xf32, #tpu.memory_space<vmem>>, vector<1x64xf32>
    tpu.vector_store %arg12[%swap3A_68, %swap3A_69], %add3A_67 {strides = array<i32>} : memref<2x64xf32, #tpu.memory_space<vmem>>, vector<1x64xf32>,
    %get3A_71 = arith.constant 1 : index
    %get3A_72 = arith.constant 0 : index
    %get3A_73 = vector.load %arg12[%get3A_71, %get3A_72] : memref<2x64xf32, #tpu.memory_space<vmem>>, vector<1x64xf32>
    %mul3A_74 = arith.mulf %max3A_53, %max3A_53 : vector<1000x64xf32>
    %reduce_sum3A_75 = arith.constant dense<0.000000e+00> : vector<64xf32>
    %reduce_sum3A_76 = vector.multi_reduction <add>, %mul3A_74, %reduce_sum3A_75 [0] : vector<1000x64xf32> to vector<64xf32>
    %broadcast_in_dim3A_77 = vector.shape_cast %reduce_sum3A_76 : vector<64xf32> to vector<1x64xf32>
    %add3A_78 = arith.addf %get3A_73, %broadcast_in_dim3A_77 : vector<1x64xf32>
    %swap3A_79 = arith.constant 1 : index
    %swap3A_80 = arith.constant 0 : index
    %swap3A_81 = vector.load %arg12[%swap3A_79, %swap3A_80] : memref<2x64xf32, #tpu.memory_space<vmem>>, vector<1x64xf32>
    tpu.vector_store %arg12[%swap3A_79, %swap3A_80], %add3A_78 {strides = array<i32>} : memref<2x64xf32, #tpu.memory_space<vmem>>, vector<1x64xf32>,
    return
  }
  func.func @transform_0(%arg0: i32) -> (i32, i32) {
    %c0_i32 = arith.constant 0 : i32
    %c0_i32_0 = arith.constant 0 : i32
    return %arg0, %c0_i32 : i32, i32
  }
  func.func @transform_1(%arg0: i32) -> (i32, i32) {
    %c0_i32 = arith.constant 0 : i32
    %c0_i32_0 = arith.constant 0 : i32
    return %arg0, %c0_i32 : i32, i32
  }
  func.func @transform_2(%arg0: i32) -> (i32, i32, i32) {
    %c0_i32 = arith.constant 0 : i32
    %c0_i32_0 = arith.constant 0 : i32
    %c0_i32_1 = arith.constant 0 : i32
    return %c0_i32, %arg0, %c0_i32_0 : i32, i32, i32
  }
  func.func @transform_3(%arg0: i32) -> (i32, i32) {
    %c0_i32 = arith.constant 0 : i32
    %c0_i32_0 = arith.constant 0 : i32
    return %arg0, %c0_i32 : i32, i32
  }
  func.func @transform_4(%arg0: i32) -> (i32, i32) {
    %c0_i32 = arith.constant 0 : i32
    %c0_i32_0 = arith.constant 0 : i32
    %c0_i32_1 = arith.constant 0 : i32
    return %c0_i32, %c0_i32_0 : i32, i32
  }
  func.func @transform_5(%arg0: i32) -> (i32, i32) {
    %c0_i32 = arith.constant 0 : i32
    %c0_i32_0 = arith.constant 0 : i32
    %c0_i32_1 = arith.constant 0 : i32
    return %c0_i32, %c0_i32_0 : i32, i32
  }
  func.func @transform_6(%arg0: i32) -> (i32, i32) {
    %c0_i32 = arith.constant 0 : i32
    %c0_i32_0 = arith.constant 0 : i32
    %c0_i32_1 = arith.constant 0 : i32
    return %c0_i32, %c0_i32_0 : i32, i32
  }
  func.func @transform_7(%arg0: i32) -> (i32, i32) {
    %c0_i32 = arith.constant 0 : i32
    %c0_i32_0 = arith.constant 0 : i32
    %c0_i32_1 = arith.constant 0 : i32
    return %c0_i32, %c0_i32_0 : i32, i32
  }
  func.func @transform_8(%arg0: i32) -> (i32, i32) {
    %c0_i32 = arith.constant 0 : i32
    %c0_i32_0 = arith.constant 0 : i32
    %c0_i32_1 = arith.constant 0 : i32
    return %c0_i32, %c0_i32_0 : i32, i32
  }
  func.func @transform_9(%arg0: i32) -> (i32, i32) {
    %c0_i32 = arith.constant 0 : i32
    %c0_i32_0 = arith.constant 0 : i32
    return %arg0, %c0_i32 : i32, i32
  }
  func.func @transform_10(%arg0: i32) -> (i32, i32) {
    %c0_i32 = arith.constant 0 : i32
    %c0_i32_0 = arith.constant 0 : i32
    return %arg0, %c0_i32 : i32, i32
  }
  func.func @transform_11(%arg0: i32) -> (i32, i32) {
    %c0_i32 = arith.constant 0 : i32
    %c0_i32_0 = arith.constant 0 : i32
    %c0_i32_1 = arith.constant 0 : i32
    return %c0_i32, %c0_i32_0 : i32, i32
  }
}

module attributes {stable_mosaic.version = 14 : i64} {
  func.func @body(%arg0: i32, %arg1: memref<1000x32xf32, #tpu.memory_space<vmem>>, %arg2: memref<1000x32xf32, #tpu.memory_space<vmem>>, %arg3: memref<2x1000x32xf32, #tpu.memory_space<vmem>>, %arg4: memref<1000x8xf32, #tpu.memory_space<vmem>>, %arg5: memref<2x64xf32, #tpu.memory_space<vmem>>, %arg6: memref<64x64xf32, #tpu.memory_space<vmem>>, %arg7: memref<1x64xf32, #tpu.memory_space<vmem>>, %arg8: memref<64x64xf32, #tpu.memory_space<vmem>>, %arg9: memref<1x64xf32, #tpu.memory_space<vmem>>, %arg10: memref<1x1x1000xi32, #tpu.memory_space<vmem>>, %arg11: memref<512x65xf32, #tpu.memory_space<vmem>>, %arg12: memref<2x64xf32, #tpu.memory_space<vmem>>) attributes {dimension_semantics = [#tpu.dimension_semantics<arbitrary>], iteration_bounds = array<i64: 50>, scalar_prefetch = 0 : i64, scratch_operands = 0 : i64, tpu.core_type = #tpu.core_type<tc>, window_params = [{transform_indices = @transform_0, window_bounds = array<i64: 1000, 32>}, {transform_indices = @transform_1, window_bounds = array<i64: 1000, 32>}, {transform_indices = @transform_2, window_bounds = array<i64: 2, 1000, 32>}, {transform_indices = @transform_3, window_bounds = array<i64: 1000, 8>}, {pipeline_mode = #tpu.pipeline_mode<synchronous>, transform_indices = @transform_4, window_bounds = array<i64: 2, 64>}, {pipeline_mode = #tpu.pipeline_mode<synchronous>, transform_indices = @transform_5, window_bounds = array<i64: 64, 64>}, {pipeline_mode = #tpu.pipeline_mode<synchronous>, transform_indices = @transform_6, window_bounds = array<i64: 1, 64>}, {pipeline_mode = #tpu.pipeline_mode<synchronous>, transform_indices = @transform_7, window_bounds = array<i64: 64, 64>}, {pipeline_mode = #tpu.pipeline_mode<synchronous>, transform_indices = @transform_8, window_bounds = array<i64: 1, 64>}, {transform_indices = @transform_9, window_bounds = array<i64: 1, 1, 1000>}, {pipeline_mode = #tpu.pipeline_mode<synchronous>, transform_indices = @transform_10, window_bounds = array<i64: 512, 65>}, {pipeline_mode = #tpu.pipeline_mode<synchronous>, transform_indices = @transform_11, window_bounds = array<i64: 2, 64>}]} {
    %get3A = arith.constant 0 : index
    %get3A_0 = arith.constant 0 : index
    %get3A_1 = vector.load %arg1[%get3A, %get3A_0] : memref<1000x32xf32, #tpu.memory_space<vmem>>, vector<1000x32xf32>
    %get3A_2 = arith.constant 0 : index
    %get3A_3 = arith.constant 0 : index
    %get3A_4 = vector.load %arg2[%get3A_2, %get3A_3] : memref<1000x32xf32, #tpu.memory_space<vmem>>, vector<1000x32xf32>
    %concatenate3A = tpu.concatenate %get3A_1, %get3A_4 in 1 : vector<1000x32xf32>, vector<1000x32xf32> -> vector<1000x64xf32>
    %get3A_5 = arith.constant 0 : index
    %get3A_6 = arith.constant 0 : index
    %get3A_7 = arith.constant 0 : index
    %get3A_8 = vector.load %arg3[%get3A_5, %get3A_6, %get3A_7] : memref<2x1000x32xf32, #tpu.memory_space<vmem>>, vector<1x1000x32xf32>
    %get3A_9 = vector.shape_cast %get3A_8 : vector<1x1000x32xf32> to vector<1000x32xf32>
    %get3A_10 = arith.constant 1 : index
    %get3A_11 = arith.constant 0 : index
    %get3A_12 = arith.constant 0 : index
    %get3A_13 = vector.load %arg3[%get3A_10, %get3A_11, %get3A_12] : memref<2x1000x32xf32, #tpu.memory_space<vmem>>, vector<1x1000x32xf32>
    %get3A_14 = vector.shape_cast %get3A_13 : vector<1x1000x32xf32> to vector<1000x32xf32>
    %concatenate3A_15 = tpu.concatenate %get3A_9, %get3A_14 in 1 : vector<1000x32xf32>, vector<1000x32xf32> -> vector<1000x64xf32>
    %get3A_16 = arith.constant 0 : index
    %get3A_17 = arith.constant 0 : index
    %get3A_18 = vector.load %arg5[%get3A_16, %get3A_17] : memref<2x64xf32, #tpu.memory_space<vmem>>, vector<1x64xf32>
    %add3A = arith.addf %concatenate3A, %concatenate3A_15 : vector<1000x64xf32>
    %mul3A = vector.broadcast %get3A_18 : vector<1x64xf32> to vector<1000x64xf32>
    %mul3A_19 = arith.mulf %mul3A, %add3A : vector<1000x64xf32>
    %get3A_20 = arith.constant 0 : index
    %get3A_21 = arith.constant 0 : index
    %get3A_22 = vector.load %arg4[%get3A_20, %get3A_21] : memref<1000x8xf32, #tpu.memory_space<vmem>>, vector<1000x8xf32>
    %slice3A = vector.extract_strided_slice %get3A_22 {offsets = [0, 0], sizes = [1000, 1], strides = [1, 1]} : vector<1000x8xf32> to vector<1000x1xf32>
    %get3A_23 = arith.constant 1 : index
    %get3A_24 = arith.constant 0 : index
    %get3A_25 = vector.load %arg5[%get3A_23, %get3A_24] : memref<2x64xf32, #tpu.memory_space<vmem>>, vector<1x64xf32>
    %mul3A_26 = vector.broadcast %slice3A : vector<1000x1xf32> to vector<1000x64xf32>
    %mul3A_27 = vector.broadcast %get3A_25 : vector<1x64xf32> to vector<1000x64xf32>
    %mul3A_28 = arith.mulf %mul3A_26, %mul3A_27 : vector<1000x64xf32>
    %add3A_29 = arith.addf %mul3A_19, %mul3A_28 : vector<1000x64xf32>
    %get3A_30 = arith.constant 0 : index
    %get3A_31 = arith.constant 0 : index
    %get3A_32 = vector.load %arg6[%get3A_30, %get3A_31] : memref<64x64xf32, #tpu.memory_space<vmem>>, vector<64x64xf32>
    %dot_general3A = arith.constant dense<0.000000e+00> : vector<1000x64xf32>
    %dot_general3A_33 = tpu.matmul %add3A_29, %get3A_32, %dot_general3A {dimension_numbers = #tpu.dot_dimension_numbers<[1], [0], [0], [1], [0, 0, 1, 1], [], []>, transpose_lhs_hint = false} : vector<1000x64xf32>, vector<64x64xf32>, vector<1000x64xf32> -> vector<1000x64xf32>
    %get3A_34 = arith.constant 0 : index
    %get3A_35 = arith.constant 0 : index
    %get3A_36 = vector.load %arg7[%get3A_34, %get3A_35] : memref<1x64xf32, #tpu.memory_space<vmem>>, vector<1x64xf32>
    %add3A_37 = vector.broadcast %get3A_36 : vector<1x64xf32> to vector<1000x64xf32>
    %add3A_38 = arith.addf %dot_general3A_33, %add3A_37 : vector<1000x64xf32>
    %max3A = arith.constant 0.000000e+00 : f32
    %max3A_39 = vector.broadcast %max3A : f32 to vector<1000x64xf32>
    %max3A_40 = arith.maximumf %add3A_38, %max3A_39 : vector<1000x64xf32>
    %get3A_41 = arith.constant 0 : index
    %get3A_42 = arith.constant 0 : index
    %get3A_43 = vector.load %arg8[%get3A_41, %get3A_42] : memref<64x64xf32, #tpu.memory_space<vmem>>, vector<64x64xf32>
    %dot_general3A_44 = arith.constant dense<0.000000e+00> : vector<1000x64xf32>
    %dot_general3A_45 = tpu.matmul %max3A_40, %get3A_43, %dot_general3A_44 {dimension_numbers = #tpu.dot_dimension_numbers<[1], [0], [0], [1], [0, 0, 1, 1], [], []>, transpose_lhs_hint = false} : vector<1000x64xf32>, vector<64x64xf32>, vector<1000x64xf32> -> vector<1000x64xf32>
    %get3A_46 = arith.constant 0 : index
    %get3A_47 = arith.constant 0 : index
    %get3A_48 = vector.load %arg9[%get3A_46, %get3A_47] : memref<1x64xf32, #tpu.memory_space<vmem>>, vector<1x64xf32>
    %add3A_49 = vector.broadcast %get3A_48 : vector<1x64xf32> to vector<1000x64xf32>
    %add3A_50 = arith.addf %dot_general3A_45, %add3A_49 : vector<1000x64xf32>
    %max3A_51 = arith.constant 0.000000e+00 : f32
    %max3A_52 = vector.broadcast %max3A_51 : f32 to vector<1000x64xf32>
    %max3A_53 = arith.maximumf %add3A_50, %max3A_52 : vector<1000x64xf32>
    %eq3A = arith.constant 0 : i32
    %eq3A_54 = arith.cmpi eq, %arg0, %eq3A : i32
    %convert_element_type3A = arith.extui %eq3A_54 : i1 to i32
    %cond3A = arith.constant 0 : i32
    %cond3A_55 = arith.cmpi ne, %convert_element_type3A, %cond3A : i32
    scf.if %cond3A_55 {
      %broadcast_in_dim3A_97 = arith.constant 0.000000e+00 : f32
      %broadcast_in_dim3A_98 = vector.broadcast %broadcast_in_dim3A_97 : f32 to vector<2x64xf32>
      %swap3A_99 = arith.constant 0 : index
      %swap3A_100 = arith.constant 0 : index
      %swap3A_101 = vector.load %arg12[%swap3A_99, %swap3A_100] : memref<2x64xf32, #tpu.memory_space<vmem>>, vector<2x64xf32>
      tpu.vector_store %arg12[%swap3A_99, %swap3A_100], %broadcast_in_dim3A_98 {strides = array<i32>} : memref<2x64xf32, #tpu.memory_space<vmem>>, vector<2x64xf32>,
      %broadcast_in_dim3A_102 = arith.constant 0.000000e+00 : f32
      %broadcast_in_dim3A_103 = vector.broadcast %broadcast_in_dim3A_102 : f32 to vector<512x65xf32>
      %swap3A_104 = arith.constant 0 : index
      %swap3A_105 = arith.constant 0 : index
      %swap3A_106 = vector.load %arg11[%swap3A_104, %swap3A_105] : memref<512x65xf32, #tpu.memory_space<vmem>>, vector<512x65xf32>
      tpu.vector_store %arg11[%swap3A_104, %swap3A_105], %broadcast_in_dim3A_103 {strides = array<i32>} : memref<512x65xf32, #tpu.memory_space<vmem>>, vector<512x65xf32>,
    } else {
    }
    %get3A_56 = arith.constant 0 : index
    %get3A_57 = arith.constant 0 : index
    %get3A_58 = vector.load %arg12[%get3A_56, %get3A_57] : memref<2x64xf32, #tpu.memory_space<vmem>>, vector<1x64xf32>
    %reduce_sum3A = arith.constant dense<0.000000e+00> : vector<64xf32>
    %reduce_sum3A_59 = vector.multi_reduction <add>, %max3A_53, %reduce_sum3A [0] : vector<1000x64xf32> to vector<64xf32>
    %broadcast_in_dim3A = vector.shape_cast %reduce_sum3A_59 : vector<64xf32> to vector<1x64xf32>
    %add3A_60 = arith.addf %get3A_58, %broadcast_in_dim3A : vector<1x64xf32>
    %swap3A = arith.constant 0 : index
    %swap3A_61 = arith.constant 0 : index
    %swap3A_62 = vector.load %arg12[%swap3A, %swap3A_61] : memref<2x64xf32, #tpu.memory_space<vmem>>, vector<1x64xf32>
    tpu.vector_store %arg12[%swap3A, %swap3A_61], %add3A_60 {strides = array<i32>} : memref<2x64xf32, #tpu.memory_space<vmem>>, vector<1x64xf32>,
    %get3A_63 = arith.constant 1 : index
    %get3A_64 = arith.constant 0 : index
    %get3A_65 = vector.load %arg12[%get3A_63, %get3A_64] : memref<2x64xf32, #tpu.memory_space<vmem>>, vector<1x64xf32>
    %mul3A_66 = arith.mulf %max3A_53, %max3A_53 : vector<1000x64xf32>
    %reduce_sum3A_67 = arith.constant dense<0.000000e+00> : vector<64xf32>
    %reduce_sum3A_68 = vector.multi_reduction <add>, %mul3A_66, %reduce_sum3A_67 [0] : vector<1000x64xf32> to vector<64xf32>
    %broadcast_in_dim3A_69 = vector.shape_cast %reduce_sum3A_68 : vector<64xf32> to vector<1x64xf32>
    %add3A_70 = arith.addf %get3A_65, %broadcast_in_dim3A_69 : vector<1x64xf32>
    %swap3A_71 = arith.constant 1 : index
    %swap3A_72 = arith.constant 0 : index
    %swap3A_73 = vector.load %arg12[%swap3A_71, %swap3A_72] : memref<2x64xf32, #tpu.memory_space<vmem>>, vector<1x64xf32>
    tpu.vector_store %arg12[%swap3A_71, %swap3A_72], %add3A_70 {strides = array<i32>} : memref<2x64xf32, #tpu.memory_space<vmem>>, vector<1x64xf32>,
    %get3A_74 = arith.constant 0 : index
    %get3A_75 = arith.constant 0 : index
    %get3A_76 = arith.constant 0 : index
    %get3A_77 = vector.load %arg10[%get3A_74, %get3A_75, %get3A_76] : memref<1x1x1000xi32, #tpu.memory_space<vmem>>, vector<1x1x1000xi32>
    %get3A_78 = vector.shape_cast %get3A_77 : vector<1x1x1000xi32> to vector<1000xi32>
    %iota3A = tpu.iota {dimensions = array<i32: 1>} : vector<1000x512xi32>
    %broadcast_in_dim3A_79 = vector.shape_cast %get3A_78 : vector<1000xi32> to vector<1000x1xi32>
    %eq3A_80 = vector.broadcast %broadcast_in_dim3A_79 : vector<1000x1xi32> to vector<1000x512xi32>
    %eq3A_81 = arith.cmpi eq, %eq3A_80, %iota3A : vector<1000x512xi32>
    %jit3A = arith.constant 1.000000e+00 : f32
    %jit3A_82 = arith.constant 0.000000e+00 : f32
    %broadcast_in_dim3A_83 = vector.broadcast %jit3A : f32 to vector<1000x512xf32>
    %broadcast_in_dim3A_84 = vector.broadcast %jit3A_82 : f32 to vector<1000x512xf32>
    %select_n3A = arith.select %eq3A_81, %broadcast_in_dim3A_83, %broadcast_in_dim3A_84 : vector<1000x512xi1>, vector<1000x512xf32>
    %broadcast_in_dim3A_85 = arith.constant 1.000000e+00 : f32
    %broadcast_in_dim3A_86 = vector.broadcast %broadcast_in_dim3A_85 : f32 to vector<1000x1xf32>
    %concatenate3A_87 = tpu.concatenate %max3A_53, %broadcast_in_dim3A_86 in 1 : vector<1000x64xf32>, vector<1000x1xf32> -> vector<1000x65xf32>
    %get3A_88 = arith.constant 0 : index
    %get3A_89 = arith.constant 0 : index
    %get3A_90 = vector.load %arg11[%get3A_88, %get3A_89] : memref<512x65xf32, #tpu.memory_space<vmem>>, vector<512x65xf32>
    %dot_general3A_91 = arith.constant dense<0.000000e+00> : vector<512x65xf32>
    %dot_general3A_92 = tpu.matmul %select_n3A, %concatenate3A_87, %dot_general3A_91 {dimension_numbers = #tpu.dot_dimension_numbers<[0], [0], [1], [1], [0, 1, 1, 1], [], []>, transpose_lhs_hint = false} : vector<1000x512xf32>, vector<1000x65xf32>, vector<512x65xf32> -> vector<512x65xf32>
    %add3A_93 = arith.addf %get3A_90, %dot_general3A_92 : vector<512x65xf32>
    %swap3A_94 = arith.constant 0 : index
    %swap3A_95 = arith.constant 0 : index
    %swap3A_96 = vector.load %arg11[%swap3A_94, %swap3A_95] : memref<512x65xf32, #tpu.memory_space<vmem>>, vector<512x65xf32>
    tpu.vector_store %arg11[%swap3A_94, %swap3A_95], %add3A_93 {strides = array<i32>} : memref<512x65xf32, #tpu.memory_space<vmem>>, vector<512x65xf32>,
    return
  }
  func.func @transform_0(%arg0: i32) -> (i32, i32) {
    %c0_i32 = arith.constant 0 : i32
    %c0_i32_0 = arith.constant 0 : i32
    return %arg0, %c0_i32 : i32, i32
  }
  func.func @transform_1(%arg0: i32) -> (i32, i32) {
    %c0_i32 = arith.constant 0 : i32
    %c0_i32_0 = arith.constant 0 : i32
    return %arg0, %c0_i32 : i32, i32
  }
  func.func @transform_2(%arg0: i32) -> (i32, i32, i32) {
    %c0_i32 = arith.constant 0 : i32
    %c0_i32_0 = arith.constant 0 : i32
    %c0_i32_1 = arith.constant 0 : i32
    return %c0_i32, %arg0, %c0_i32_0 : i32, i32, i32
  }
  func.func @transform_3(%arg0: i32) -> (i32, i32) {
    %c0_i32 = arith.constant 0 : i32
    %c0_i32_0 = arith.constant 0 : i32
    return %arg0, %c0_i32 : i32, i32
  }
  func.func @transform_4(%arg0: i32) -> (i32, i32) {
    %c0_i32 = arith.constant 0 : i32
    %c0_i32_0 = arith.constant 0 : i32
    %c0_i32_1 = arith.constant 0 : i32
    return %c0_i32, %c0_i32_0 : i32, i32
  }
  func.func @transform_5(%arg0: i32) -> (i32, i32) {
    %c0_i32 = arith.constant 0 : i32
    %c0_i32_0 = arith.constant 0 : i32
    %c0_i32_1 = arith.constant 0 : i32
    return %c0_i32, %c0_i32_0 : i32, i32
  }
  func.func @transform_6(%arg0: i32) -> (i32, i32) {
    %c0_i32 = arith.constant 0 : i32
    %c0_i32_0 = arith.constant 0 : i32
    %c0_i32_1 = arith.constant 0 : i32
    return %c0_i32, %c0_i32_0 : i32, i32
  }
  func.func @transform_7(%arg0: i32) -> (i32, i32) {
    %c0_i32 = arith.constant 0 : i32
    %c0_i32_0 = arith.constant 0 : i32
    %c0_i32_1 = arith.constant 0 : i32
    return %c0_i32, %c0_i32_0 : i32, i32
  }
  func.func @transform_8(%arg0: i32) -> (i32, i32) {
    %c0_i32 = arith.constant 0 : i32
    %c0_i32_0 = arith.constant 0 : i32
    %c0_i32_1 = arith.constant 0 : i32
    return %c0_i32, %c0_i32_0 : i32, i32
  }
  func.func @transform_9(%arg0: i32) -> (i32, i32, i32) {
    %c0_i32 = arith.constant 0 : i32
    %c0_i32_0 = arith.constant 0 : i32
    %c0_i32_1 = arith.constant 0 : i32
    return %arg0, %c0_i32, %c0_i32_0 : i32, i32, i32
  }
  func.func @transform_10(%arg0: i32) -> (i32, i32) {
    %c0_i32 = arith.constant 0 : i32
    %c0_i32_0 = arith.constant 0 : i32
    %c0_i32_1 = arith.constant 0 : i32
    return %c0_i32, %c0_i32_0 : i32, i32
  }
  func.func @transform_11(%arg0: i32) -> (i32, i32) {
    %c0_i32 = arith.constant 0 : i32
    %c0_i32_0 = arith.constant 0 : i32
    %c0_i32_1 = arith.constant 0 : i32
    return %c0_i32, %c0_i32_0 : i32, i32
  }
}

module attributes {stable_mosaic.version = 14 : i64} {
  func.func @body(%arg0: memref<512x65xf32, #tpu.memory_space<vmem>>, %arg1: memref<2x64xf32, #tpu.memory_space<vmem>>, %arg2: memref<2x64xf32, #tpu.memory_space<vmem>>, %arg3: memref<64x64xf32, #tpu.memory_space<vmem>>, %arg4: memref<1x64xf32, #tpu.memory_space<vmem>>, %arg5: memref<64x1xf32, #tpu.memory_space<vmem>>, %arg6: memref<1x1xf32, #tpu.memory_space<vmem>>, %arg7: memref<512x1xf32, #tpu.memory_space<vmem>>) attributes {dimension_semantics = [], scalar_prefetch = 0 : i64, scratch_operands = 0 : i64, tpu.core_type = #tpu.core_type<tc>} {
    %get3A = arith.constant 0 : index
    %get3A_0 = arith.constant 0 : index
    %get3A_1 = vector.load %arg1[%get3A, %get3A_0] : memref<2x64xf32, #tpu.memory_space<vmem>>, vector<1x64xf32>
    %mul3A = arith.constant 2.000000e-05 : f32
    %mul3A_2 = vector.broadcast %mul3A : f32 to vector<1x64xf32>
    %mul3A_3 = arith.mulf %get3A_1, %mul3A_2 : vector<1x64xf32>
    %get3A_4 = arith.constant 1 : index
    %get3A_5 = arith.constant 0 : index
    %get3A_6 = vector.load %arg1[%get3A_4, %get3A_5] : memref<2x64xf32, #tpu.memory_space<vmem>>, vector<1x64xf32>
    %mul3A_7 = arith.constant 2.000000e-05 : f32
    %mul3A_8 = vector.broadcast %mul3A_7 : f32 to vector<1x64xf32>
    %mul3A_9 = arith.mulf %get3A_6, %mul3A_8 : vector<1x64xf32>
    %mul3A_10 = arith.mulf %mul3A_3, %mul3A_3 : vector<1x64xf32>
    %sub3A = arith.subf %mul3A_9, %mul3A_10 : vector<1x64xf32>
    %get3A_11 = arith.constant 0 : index
    %get3A_12 = arith.constant 0 : index
    %get3A_13 = vector.load %arg2[%get3A_11, %get3A_12] : memref<2x64xf32, #tpu.memory_space<vmem>>, vector<1x64xf32>
    %add3A = arith.constant 9.99999974E-6 : f32
    %add3A_14 = vector.broadcast %add3A : f32 to vector<1x64xf32>
    %add3A_15 = arith.addf %sub3A, %add3A_14 : vector<1x64xf32>
    %rsqrt3A = math.rsqrt %add3A_15 : vector<1x64xf32>
    %mul3A_16 = arith.mulf %get3A_13, %rsqrt3A : vector<1x64xf32>
    %get3A_17 = arith.constant 1 : index
    %get3A_18 = arith.constant 0 : index
    %get3A_19 = vector.load %arg2[%get3A_17, %get3A_18] : memref<2x64xf32, #tpu.memory_space<vmem>>, vector<1x64xf32>
    %mul3A_20 = arith.mulf %mul3A_3, %mul3A_16 : vector<1x64xf32>
    %sub3A_21 = arith.subf %get3A_19, %mul3A_20 : vector<1x64xf32>
    %get3A_22 = arith.constant 0 : index
    %get3A_23 = arith.constant 0 : index
    %get3A_24 = vector.load %arg0[%get3A_22, %get3A_23] : memref<512x65xf32, #tpu.memory_space<vmem>>, vector<512x65xf32>
    %slice3A = vector.extract_strided_slice %get3A_24 {offsets = [0, 0], sizes = [512, 64], strides = [1, 1]} : vector<512x65xf32> to vector<512x64xf32>
    %get3A_25 = arith.constant 0 : index
    %get3A_26 = arith.constant 0 : index
    %get3A_27 = vector.load %arg0[%get3A_25, %get3A_26] : memref<512x65xf32, #tpu.memory_space<vmem>>, vector<512x65xf32>
    %slice3A_28 = vector.extract_strided_slice %get3A_27 {offsets = [0, 64], sizes = [512, 1], strides = [1, 1]} : vector<512x65xf32> to vector<512x1xf32>
    %mul3A_29 = vector.broadcast %mul3A_16 : vector<1x64xf32> to vector<512x64xf32>
    %mul3A_30 = arith.mulf %mul3A_29, %slice3A : vector<512x64xf32>
    %mul3A_31 = vector.broadcast %slice3A_28 : vector<512x1xf32> to vector<512x64xf32>
    %mul3A_32 = vector.broadcast %sub3A_21 : vector<1x64xf32> to vector<512x64xf32>
    %mul3A_33 = arith.mulf %mul3A_31, %mul3A_32 : vector<512x64xf32>
    %add3A_34 = arith.addf %mul3A_30, %mul3A_33 : vector<512x64xf32>
    %get3A_35 = arith.constant 0 : index
    %get3A_36 = arith.constant 0 : index
    %get3A_37 = vector.load %arg3[%get3A_35, %get3A_36] : memref<64x64xf32, #tpu.memory_space<vmem>>, vector<64x64xf32>
    %dot_general3A = arith.constant dense<0.000000e+00> : vector<512x64xf32>
    %dot_general3A_38 = tpu.matmul %add3A_34, %get3A_37, %dot_general3A {dimension_numbers = #tpu.dot_dimension_numbers<[1], [0], [0], [1], [0, 0, 1, 1], [], []>, transpose_lhs_hint = false} : vector<512x64xf32>, vector<64x64xf32>, vector<512x64xf32> -> vector<512x64xf32>
    %get3A_39 = arith.constant 0 : index
    %get3A_40 = arith.constant 0 : index
    %get3A_41 = vector.load %arg4[%get3A_39, %get3A_40] : memref<1x64xf32, #tpu.memory_space<vmem>>, vector<1x64xf32>
    %add3A_42 = vector.broadcast %get3A_41 : vector<1x64xf32> to vector<512x64xf32>
    %add3A_43 = arith.addf %dot_general3A_38, %add3A_42 : vector<512x64xf32>
    %max3A = arith.constant 0.000000e+00 : f32
    %max3A_44 = vector.broadcast %max3A : f32 to vector<512x64xf32>
    %max3A_45 = arith.maximumf %add3A_43, %max3A_44 : vector<512x64xf32>
    %get3A_46 = arith.constant 0 : index
    %get3A_47 = arith.constant 0 : index
    %get3A_48 = vector.load %arg5[%get3A_46, %get3A_47] : memref<64x1xf32, #tpu.memory_space<vmem>>, vector<64x1xf32>
    %dot_general3A_49 = arith.constant dense<0.000000e+00> : vector<512x1xf32>
    %dot_general3A_50 = tpu.matmul %max3A_45, %get3A_48, %dot_general3A_49 {dimension_numbers = #tpu.dot_dimension_numbers<[1], [0], [0], [1], [0, 0, 1, 1], [], []>, transpose_lhs_hint = false} : vector<512x64xf32>, vector<64x1xf32>, vector<512x1xf32> -> vector<512x1xf32>
    %get3A_51 = arith.constant 0 : index
    %get3A_52 = arith.constant 0 : index
    %get3A_53 = vector.load %arg6[%get3A_51, %get3A_52] : memref<1x1xf32, #tpu.memory_space<vmem>>, vector<1x1xf32>
    %add3A_54 = vector.broadcast %get3A_53 : vector<1x1xf32> to vector<512x1xf32>
    %add3A_55 = arith.addf %dot_general3A_50, %add3A_54 : vector<512x1xf32>
    %swap3A = arith.constant 0 : index
    %swap3A_56 = arith.constant 0 : index
    %swap3A_57 = vector.load %arg7[%swap3A, %swap3A_56] : memref<512x1xf32, #tpu.memory_space<vmem>>, vector<512x1xf32>
    tpu.vector_store %arg7[%swap3A, %swap3A_56], %add3A_55 {strides = array<i32>} : memref<512x1xf32, #tpu.memory_space<vmem>>, vector<512x1xf32>,
    return
  }
}

</mosaic_0001>

<sc_bundles>
// kernel: kernel.12.cloned.1.call-start
scs
__scs_entry_jumppad:
0x0: {  	(pc) =	sbr.rel $0x88, $3  }
0x1: {  	(tag) =	ssettag $0x0;
	lr =	simm.s32 $0x1  }
0x2: {  	[smem:$0x3F88] =	sst lr;
	_ =	strace $0xD0000000  }
0x3: {  	_ = 	snop  }
0x4: {  	_ = 	snop  }
0x5: {  	_ = 	snop  }
0x6: {  	_ = 	snop  }
0x7: {  	_ = 	snop  }
__scs_overlays_trampoline_lowered:
0x8: {  	[smem:$0x3F97] =	sst s0  }
0x9: {  	[smem:$0x3F98] =	sst s1  }
0xa: {  	[smem:$0x3F99] =	sst s2  }
0xb: {  	[smem:$0x3F9A] =	sst s3  }
0xc: {  	[smem:$0x3F9B] =	sst s4  }
0xd: {  	[smem:$0x3F9C] =	sst s5  }
0xe: {  	[smem:$0x3F9D] =	sst s6  }
0xf: {  	[smem:$0x3F9E] =	sst s7  }
0x10: {  	[smem:$0x3F9F] =	sst s8  }
0x11: {  	[smem:$0x3FA0] =	sst s9;
	s0 =	simm.s32 @!p0 $0x0  }
0x12: {  	s1 =	sld [smem:$0x3F86];
	s0 =	simm.s32 @p0 $0x1  }
0x13: {  	[smem:$0x3FA1] =	sst s0;
	s0 =	simm.s32 @!p1 $0x0  }
0x14: {  	s2 =	sld [smem:$0x3F85];
	s0 =	simm.s32 @p1 $0x1  }
0x15: {  	[smem:$0x3FA2] =	sst s0;
	s0 =	simm.s32 @!p2 $0x0  }
0x16: {  	s3 =	sld [smem:$0x3FDB];
	s0 =	simm.s32 @p2 $0x1  }
0x17: {  	s4 =	simm.s32 $0x1BF5;
	[smem:$0x3FA4] =	sst s0  }
0x18: {  	s0 =	sld [smem:$0x3F87];
	_ =	swait.ge [sflag:s4], $0x0  }
0x19: {  	s7 =	sld [smem:$0x3F88]  }
0x1a: {  	s8 =	sadd.s32 $0xFFFFE003, lr  }
0x1b: {  	s9 =	sadd.s32 $0xFFFFFEF7, lr;
	s5 =	simm.s32 $0xFFFFFFFF;
	p2 =	slt.u32 s8, $0xFFFFF086  }
0x1c: {  	p1 =	slt.u32 s9, $0xF7A;
	s5 =	simm.s32 @!p2 $0x0  }
0x1d: {  	s5 =	simm.s32 @p1 $0x1;
	p0 =	seq.s32 s7, s2  }
0x1e: {  	s7 =	smul.u32 @!p0 $0xF7A, s2;
	p2 =	seq.s32 @!p0 s5, $0x0  }
0x1f: {  	s9 =	smul.u32 $0xF7A, s1;
	s8 =	simm.s32 @!p0 $0x1BF5;
	p2 =	por !p2, p0  }
0x20: {  	[sflag:s8] =	ssyncset.s32 @!p0 $0xFFFFF086;
	s6 =	sadd.s32 @!p0 s3, s7;
	s7 =	simm.s32 @!p0 $0x108  }
0x21: {  	s3 =	sadd.s32 s3, s9;
	s6 =	sadd.s32 @!p0 $0x88, s6;
	s7 =	simm.s32 @p2 $0x1082  }
0x22: {  	[simem:s7], [sflag:s8] =	dma.local @!p0 [hbm:s6], $0xF7A  }
0x23: {  	s9 =	sor.u32 $0xD0000000, s2;
	s6 =	simm.s32 $0x108;
	_ =	swait.ge @!p0 [sflag:s8], $0x0  }
0x24: {  	s3 =	sadd.s32 $0x88, s3;
	s6 =	simm.s32 @!p1 $0x1082;
	[sflag:s4] =	ssyncset.s32 $0xFFFFF086  }
0x25: {  	[simem:s6], [sflag:s4] =	dma.local [hbm:s3], $0xF7A  }
0x26: {  	[smem:$0x3F88] =	sst s1;
	(tag) =	ssettag s2;
	_ =	strace s9  }
0x27: {  	s1 =	sld [smem:$0x3F98]  }
0x28: {  	s2 =	sld [smem:$0x3F99]  }
0x29: {  	s4 =	sld [smem:$0x3F9B]  }
0x2a: {  	p0 =	seq.s32 s5, $0x0;
	s5 =	sld [smem:$0x3F9C]  }
0x2b: {  	s6 =	sld [smem:$0x3F9D]  }
0x2c: {  	s7 =	sld [smem:$0x3F9E]  }
0x2d: {  	s3 =	simm.s32 $0x108;
	s8 =	sld [smem:$0x3F9F]  }
0x2e: {  	s3 =	simm.s32 @!p0 $0x1082;
	s9 =	sld [smem:$0x3FA0]  }
0x2f: {  	lr =	sadd.s32 s0, s3;
	s0 =	sld [smem:$0x3F97]  }
0x30: {  	s3 =	sld [smem:$0x3F9A]  }
0x31: {  	[smem:$0x3FA3] =	sst s10  }
0x32: {  	s10 =	sld [smem:$0x3FA1];
	_ =	sdelay $0x3  }
0x33: {  	p0 =	seq.s32 s10, $0x1;
	s10 =	sld [smem:$0x3FA3];
	_ =	sdelay $0x3  }
0x34: {  	[smem:$0x3FA3] =	sst s10  }
0x35: {  	s10 =	sld [smem:$0x3FA2];
	_ =	sdelay $0x3  }
0x36: {  	p1 =	seq.s32 s10, $0x1;
	s10 =	sld [smem:$0x3FA3];
	_ =	sdelay $0x3  }
0x37: {  	[smem:$0x3FA3] =	sst s10  }
0x38: {  	s10 =	sld [smem:$0x3FA4]  }
0x39: {  	_ = 	snop;
	(pc) =	sbr.ind lr, $3  }
0x3a: {  	_ = 	snop  }
0x3b: {  	_ = 	snop  }
0x3c: {  	p2 =	seq.s32 s10, $0x1;
	s10 =	sld [smem:$0x3FA3]  }
0x3d: {  	_ =	shalt  }
0x3e: {  	_ =	shalt  }
0x3f: {  	_ =	shalt  }
0x40: {  	_ =	shalt  }
0x41: {  	_ =	shalt  }
0x42: {  	_ =	shalt  }
0x43: {  	_ =	shalt  }
0x44: {  	_ =	shalt  }
0x45: {  	_ =	shalt  }
0x46: {  	_ =	shalt  }
0x47: {  	_ =	shalt  }
0x48: {  	_ =	shalt  }
0x49: {  	_ =	shalt  }
0x4a: {  	_ =	shalt  }
0x4b: {  	_ =	shalt  }
0x4c: {  	_ =	shalt  }
0x4d: {  	_ =	shalt  }
0x4e: {  	_ =	shalt  }
0x4f: {  	_ =	shalt  }
0x50: {  	_ =	shalt  }
0x51: {  	_ =	shalt  }
0x52: {  	_ =	shalt  }
0x53: {  	_ =	shalt  }
0x54: {  	_ =	shalt  }
0x55: {  	_ =	shalt  }
0x56: {  	_ =	shalt  }
0x57: {  	_ =	shalt  }
0x58: {  	_ =	shalt  }
0x59: {  	_ =	shalt  }
0x5a: {  	_ =	shalt  }
0x5b: {  	_ =	shalt  }
0x5c: {  	_ =	shalt  }
0x5d: {  	_ =	shalt  }
0x5e: {  	_ =	shalt  }
0x5f: {  	_ =	shalt  }
0x60: {  	_ =	shalt  }
0x61: {  	_ =	shalt  }
0x62: {  	_ =	shalt  }
0x63: {  	_ =	shalt  }
0x64: {  	_ =	shalt  }
0x65: {  	_ =	shalt  }
0x66: {  	_ =	shalt  }
0x67: {  	_ =	shalt  }
0x68: {  	_ =	shalt  }
0x69: {  	_ =	shalt  }
0x6a: {  	_ =	shalt  }
0x6b: {  	_ =	shalt  }
0x6c: {  	_ =	shalt  }
0x6d: {  	_ =	shalt  }
0x6e: {  	_ =	shalt  }
0x6f: {  	_ =	shalt  }
0x70: {  	_ =	shalt  }
0x71: {  	_ =	shalt  }
0x72: {  	_ =	shalt  }
0x73: {  	_ =	shalt  }
0x74: {  	_ =	shalt  }
0x75: {  	_ =	shalt  }
0x76: {  	_ =	shalt  }
0x77: {  	_ =	shalt  }
0x78: {  	_ =	shalt  }
0x79: {  	_ =	shalt  }
0x7a: {  	_ =	shalt  }
0x7b: {  	_ =	shalt  }
0x7c: {  	_ =	shalt  }
0x7d: {  	_ =	shalt  }
0x7e: {  	_ =	shalt  }
0x7f: {  	_ =	shalt  }
0x80: {  	_ =	shalt  }
0x81: {  	_ =	shalt  }
0x82: {  	_ =	shalt  }
0x83: {  	_ =	shalt  }
0x84: {  	_ =	shalt  }
0x85: {  	_ =	shalt  }
0x86: {  	_ =	shalt  }
0x87: {  	_ =	shalt  }
.Lfunc_end0:
.L_simem_size_0:
called_computation.1_lowered:
.L_overlay_start_0:
0x88: {  	s2 =	sld [smem:$0x3FD9]  }
0x89: {  	s3 =	sld [smem:$0x3FFE];
	_ =	sdelay $0x1  }
0x8a: {  	s1 =	srdreg.scid  }
0x8b: {  	s0 =	sand.u32 $0x1, s1  }
0x8c: {  	s16 =	sshll.u32 s0, $0xA;
	s2 =	sadd.s32 s3, s2  }
0x8d: {  	s2 =	sadd.s32 s2, s16  }
0x8e: {  	[smem:$0x3FAF] =	sst s2  }
0x8f: {  	_ = 	snop  }
0x90: {  	(tm) =	ssettm $0x1  }
0x91: {  	s17 =	sld [smem:$0x3FFB];
	_ =	sdelay $0x3  }
0x92: {  	_ =	strace s17  }
0x93: {  	s2 =	sld [smem:$0x3FFC];
	_ =	sdelay $0x3  }
0x94: {  	_ =	strace s2  }
0x95: {  	s2 =	sld [smem:$0x3FFD];
	_ =	sdelay $0x3  }
0x96: {  	_ =	strace s2  }
0x97: {  	_ =	strace $0x8FFFFFFF  }
0x98: {  	s18 =	sld [smem:$0x3FDB];
	_ =	sdelay $0x1  }
0x99: {  	s19 =	simm.s32 $_scs_section_size  }
0x9a: {  	s4 =	simm.s32 $_size__tile_overlayer_lowered;
	s5 =	simm.s32 $_tile_overlayer_lowered  }
0x9b: {  	s22 =	simm.s32 $0x1BFF;
	s21 =	sshll.u32 s5, $0x1;
	s2 =	sadd.s32 s19, s18  }
0x9c: {  	s6 =	simm.s32 $0x0;
	s20 =	sshll.u32 s4, $0x1;
	s4 =	sadd.s32 s21, s2  }
0x9d: {  	[timem:s6], [sflag:s22] =	dma.local [hbm:s4], s20  }
0x9e: {  	_ =	swait.ge [sflag:s22], s20  }
0x9f: {  	s3 =	ssub.s32 $0x0, s20;
	[sflag:s22] =	ssyncset.done $0x0  }
0xa0: {  	[sflag:s22] =	ssyncadd.s32 s3;
	_ =	sdelay $0x1  }
0xa1: {  	s23 =	simm.s32 $0x1B8B  }
0xa2: {  	_ =	swait.ge [sflag:s23], $0x1  }
0xa3: {  	[sflag:s23] =	ssyncset.done $0x0  }
0xa4: {  	s25 =	simm.s32 $0x1B8E;
	s24 =	sld [smem:$0x3FFE];
	[sflag:s23] =	ssyncadd.s32 $0xFFFFFFFF  }
0xa5: {  	s26 =	simm.s32 $execute0_lowered;
	[smem:$0x3FD2] =	sst s25  }
0xa6: {  	s4 =	sshll.u32 s26, $0x1;
	_ =	strace $0x80000049;
	[dreg:$0x1] =	wrdreg $0xFFFFFFFF  }
0xa7: {  	s28 =	simm.s32 $_size_execute0_lowered;
	s2 =	sadd.s32 s2, s4;
	[dreg:$0x0] =	wrdreg $0x0  }
0xa8: {  	s4 =	sshll.u32 s28, $0x1;
	[dreg:$0x2] =	wrdreg s2  }
0xa9: {  	[dreg:$0x3] =	wrdreg s4  }
0xaa: {  	[dreg:$0x4] =	wrdreg $0xC0  }
0xab: {  	_ =	task [dreg:s6], $0x5FFFF  }
0xac: {  	[dreg:$0x1] =	wrdreg $0xFFFFFFFF  }
0xad: {  	[dreg:$0x0] =	wrdreg $0x60  }
0xae: {  	[dreg:$0x2] =	wrdreg s24  }
0xaf: {  	[dreg:$0x3] =	wrdreg $0x35200  }
0xb0: {  	[dreg:$0x4] =	wrdreg $0x9  }
0xb1: {  	_ =	task.clear_ibuf [dreg:s6], $0x5FFFF;
	_ =	strace $0x90000049  }
0xb2: {  	s29 =	simm.s32 $0x9;
	_ =	strace $0x8000004B  }
0xb3: {  	_ =	swait.ge [sflag:s29], $0x1  }
0xb4: {  	[sflag:s29] =	ssyncadd.s32 $0xFFFFFFFF  }
0xb5: {  	_ =	strace $0x9000004B  }
0xb6: {  	_ =	sfence  }
0xb7: {  	s30 =	sld [smem:$0x0];
	_ =	sdelay $0x2  }
0xb8: {  	s31 =	sshll.u32 s1, $0xD;
	s1 =	sshrl.u32 s1, $0x2  }
0xb9: {  	s3 =	sand.u32 $0x4000, s31;
	s1 =	sadd.s32 s1, s30  }
0xba: {  	s0 =	sor.u32 s3, s0;
	s1 =	sshll.u32 s1, $0x11  }
0xbb: {  	s0 =	sor.u32 s1, s0  }
0xbc: {  	s0 =	sadd.s32 $0x8F2B, s0  }
0xbd: {  	[sflag:s0] =	ssyncadd.remote.s32 $0x1  }
0xbe: {  	_ =	sfence.sel $0xFFFF  }
0xbf: {  	[dreg:$0x0] =	wrdreg $0xFFFFFFFF;
	(pc) =	sbr.abs _section_cstart, $3  }
0xc0: {  	[dreg:$0x1] =	wrdreg $0xFFFFFFFF  }
0xc1: {  	_ =	task.clear_ibuf [dreg:s6], $0x2FFFF;
	_ =	strace $0x9FFFFFFF  }
0xc2: {  	(tm) =	ssettm $0x7FFFFFFF  }
0xc3: {  	_ =	shalt  }
tec
execute0_lowered:
.L_overlay_start_1:
0x0: {  	(tag) =	ssettag $0x1  }
0x1: {  	s8 =	rddreg [dreg:$0x0]  }
0x2: {  	s2 =	rddreg [dreg:$0x1]  }
0x3: {  	s0 =	rddreg [dreg:$0x2]  }
0x4: {  	s1 =	stileid.u32;
	s5 =	srdreg.scid;
	s3 =	simm.s32 $0x0  }
0x5: {  	s14 =	simm.s32 $0x320;
	s15 =	simm.s32 $0x1;
	s4 =	smul.u32 $0x186A, s1  }
0x6: {  	s16 =	simm.s32 $0x0;
	s6 =	smul.u32 $0x18700, s1;
	s7 =	sand.u32 $0x1, s5  }
0x7: {  	[smem:$0x7FF] =	sst s3;
	s31 =	sshll.u32 s1, $0x6;
	s5 =	smul.u32 $0x187000, s7  }
0x8: {  	_ =	strace $0x8000004A;
	s30 =	ssub.s32 $0x2, s7;
	p0 =	seq.s32 s7, $0x1  }
0x9: {  	s10 =	sadd.s32 s4, s8;
	s9 =	sshrl.u32 s6, $0x3;
	s11 =	sshrl.u32 s30, $0x1  }
0xa: {  	s13 =	sadd.s32 s6, s2;
	s29 =	sadd.s32 s6, s5;
	s9 =	sadd.s32 s9, s8  }
0xb: {  	s11 =	ssub.s32 s30, s11;
	s5 =	sor.u32 $0x1C02, s31;
	s4 =	sshrl.u32 s29, $0x3  }
0xc: {  	s7 =	smax.u32 s11, $0x1;
	s11 =	sshrl.u32 s13, $0x3;
	s13 =	simm.s32 $0x190  }
0xd: {  	s12 =	sadd.s32 s4, s8;
	s4 =	sadd.s32 $0x96600, s9;
	s9 =	simm.s32 $0x34A00  }
0xe: {  	s6 =	sadd.s32 $0xC7400, s12;
	s9 =	simm.s32 @!p0 $0x65800;
	s12 =	simm.s32 $0x2  }
0xf: {  	s8 =	sadd.s32 s9, s8;
	s9 =	sadd.s32 $0x3A00, s10;
	s10 =	sadd.s32 $0x1C200, s10  }
.LBB2_1:
0x10: {  	[spmem:s11], [sflag:s5] =	dma.local [hbm:s4], $0x30E0  }
0x11: {  	_ =	swait.ge [sflag:s12], $0x30E0  }
0x12: {  	[sflag:s12] =	ssyncset.done $0x0  }
0x13: {  	[sflag:s12] =	ssyncadd.s32 $0xFFFFCF20  }
0x14: {  	s17 =	sadd.s32 $0x0, s10;
	[bflag:$0x0] =	sbarrier.arrive $0xFFFF  }
0x15: {  	[tilespmem:s3], [sflag:$0x2] =	stream.linear.gather [hbm4b:s17+s3], $0x190, $0x38;
	[tilespmem:$0x1BC20] =	vst v63  }
0x16: {  	_ =	swait.ge [sflag:s12], $0x190  }
0x17: {  	[sflag:s12] =	ssyncset.done $0x0  }
0x18: {  	s31 =	sadd.s32 $0x0, s9;
	[sflag:s12] =	ssyncadd.s32 $0xFFFFFE70  }
0x19: {  	[tilespmem:s13], [sflag:$0x2] =	stream.linear.gather [hbm4b:s31+s3], $0x190, $0x38;
	[tilespmem:$0x1BC20] =	vst v63  }
0x1a: {  	_ =	swait.ge [sflag:s12], $0x190  }
0x1b: {  	[sflag:s12] =	ssyncset.done $0x0  }
0x1c: {  	[sflag:s12] =	ssyncadd.s32 $0xFFFFFE70  }
0x1d: {  	[tilespmem:s14], [sflag:$0x1] =	stream.indirect.gather [hbm4b:s8+s13], $0x20, s3, s13, $0xb8;
	[tilespmem:$0x1BC20] =	vst v63  }
0x1e: {  	_ =	swait.ge [sflag:s15], $0x3200  }
0x1f: {  	[sflag:s15] =	ssyncset.done $0x0  }
0x20: {  	[sflag:s15] =	ssyncadd.s32 $0xFFFFCE00  }
0x21: {  	[spmem:s2] =	stream.indirect.scatter.add.f32 [tilespmem:s14], [sflag:$0x2], $0x20, s13, s13, $0xb8;
	[tilespmem:$0x1BC20] =	vst v63  }
0x22: {  	_ =	swait.ge [sflag:s12], $0x3200  }
0x23: {  	s18 =	simm.s32 $0x64;
	s17 =	simm.s32 $0x32;
	[sflag:s12] =	ssyncset.done $0x0  }
.LBB2_2:
0x24: {  	s19 =	sadd.s32 s17, s10  }
0x25: {  	[sflag:s12] =	ssyncadd.s32 $0xFFFFCE00;
	s20 =	smov.u32 s18;
	s21 =	sadd.s32 $0x32, s18  }
0x26: {  	[tilespmem:s3], [sflag:$0x2] =	stream.linear.gather [hbm4b:s19+s3], $0x190, $0x38;
	[tilespmem:$0x1BC20] =	vst v63  }
0x27: {  	p0 =	sne.s32 s18, $0x1838;
	_ =	swait.ge [sflag:s12], $0x190  }
0x28: {  	[sflag:s12] =	ssyncset.done $0x0  }
0x29: {  	s18 =	sadd.s32 s17, s9;
	s17 =	smov.u32 s20;
	[sflag:s12] =	ssyncadd.s32 $0xFFFFFE70  }
0x2a: {  	[tilespmem:s13], [sflag:$0x2] =	stream.linear.gather [hbm4b:s18+s3], $0x190, $0x38;
	[tilespmem:$0x1BC20] =	vst v63  }
0x2b: {  	_ =	swait.ge [sflag:s12], $0x190  }
0x2c: {  	[sflag:s12] =	ssyncset.done $0x0  }
0x2d: {  	[sflag:s12] =	ssyncadd.s32 $0xFFFFFE70  }
0x2e: {  	[tilespmem:s14], [sflag:$0x1] =	stream.indirect.gather [hbm4b:s8+s13], $0x20, s3, s13, $0xb8;
	[tilespmem:$0x1BC20] =	vst v63  }
0x2f: {  	_ =	swait.ge [sflag:s15], $0x3200  }
.Ltmp0:
0x30: {  	[sflag:s15] =	ssyncset.done $0x0;
	(pc) =	sbr.rel @p0 .LBB2_2-.Ltmp0, $4  }
0x31: {  	[sflag:s15] =	ssyncadd.s32 $0xFFFFCE00  }
0x32: {  	[spmem:s2] =	stream.indirect.scatter.add.f32 [tilespmem:s14], [sflag:$0x2], $0x20, s13, s13, $0xb8;
	[tilespmem:$0x1BC20] =	vst v63  }
0x33: {  	_ =	swait.ge [sflag:s12], $0x3200  }
0x34: {  	s18 =	smov.u32 s21;
	[sflag:s12] =	ssyncset.done $0x0  }
0x35: {  	s18 =	sadd.s32 s17, s10;
	[sflag:s12] =	ssyncadd.s32 $0xFFFFCE00  }
0x36: {  	[tilespmem:s3], [sflag:$0x2] =	stream.linear.gather [hbm4b:s18+s3], $0x190, $0x38;
	[tilespmem:$0x1BC20] =	vst v63  }
0x37: {  	_ =	swait.ge [sflag:s12], $0x190  }
0x38: {  	[sflag:s12] =	ssyncset.done $0x0  }
0x39: {  	s31 =	sadd.s32 s17, s9;
	[sflag:s12] =	ssyncadd.s32 $0xFFFFFE70  }
0x3a: {  	[tilespmem:s13], [sflag:$0x2] =	stream.linear.gather [hbm4b:s31+s3], $0x190, $0x38;
	[tilespmem:$0x1BC20] =	vst v63  }
0x3b: {  	_ =	swait.ge [sflag:s12], $0x190  }
0x3c: {  	[sflag:s12] =	ssyncset.done $0x0  }
0x3d: {  	[sflag:s12] =	ssyncadd.s32 $0xFFFFFE70  }
0x3e: {  	[tilespmem:s14], [sflag:$0x1] =	stream.indirect.gather [hbm4b:s8+s13], $0x20, s3, s13, $0xb8;
	[tilespmem:$0x1BC20] =	vst v63  }
0x3f: {  	_ =	swait.ge [sflag:s15], $0x3200  }
0x40: {  	[sflag:s15] =	ssyncset.done $0x0  }
0x41: {  	[sflag:s15] =	ssyncadd.s32 $0xFFFFCE00  }
0x42: {  	[spmem:s2] =	stream.indirect.scatter.add.f32 [tilespmem:s14], [sflag:$0x2], $0x20, s13, s13, $0xb8;
	[tilespmem:$0x1BC20] =	vst v63  }
0x43: {  	_ =	swait.ge [sflag:s12], $0x3200  }
0x44: {  	s16 =	sadd.s32 $0x1, s16;
	[sflag:s12] =	ssyncset.done $0x0  }
0x45: {  	p0 =	sne.s32 s16, s7;
	[sflag:s12] =	ssyncadd.s32 $0xFFFFCE00  }
.Ltmp1:
0x46: {  	[bflag:$0x0] =	sbarrier.arrive $0xFFFF;
	(pc) =	sbr.rel @p0 .LBB2_1-.Ltmp1, $4  }
0x47: {  	[hbm:s6], [sflag:s5] =	dma.local [spmem:s11], $0x30E0  }
0x48: {  	_ =	swait.ge [sflag:s12], $0x30E0  }
0x49: {  	[sflag:s12] =	ssyncset.done $0x0  }
0x4a: {  	[sflag:s12] =	ssyncadd.s32 $0xFFFFCF20  }
0x4b: {  	_ =	sfence.sel $0x180000  }
0x4c: {  	[bflag:$0x0] =	sbarrier.arrive $0xFFFF  }
0x4d: {  	p0 =	sne.s32 s1, $0x0;
	_ =	strace $0x9000004A  }
0x4e: {  	s0 =	sadd.s32 @!p0 $0x100000, s0;
	[bflag:$0x2] =	sbarrier.arrive $0xFFFF  }
0x4f: {  	[sflag:s0] =	ssyncadd.tile.s32 @!p0 $0x1;
	_ =	shalt  }
.Lfunc_end2:
_tile_overlayer_lowered:
.L_overlay_start_2:
0x50: {  	(tag) =	ssettag $0x2  }
0x51: {  	s0 =	rddreg [dreg:$0x0];
	s2 =	stileid.u32  }
0x52: {  	s1 =	rddreg [dreg:$0x1];
	p0 =	sne.s32 s2, $0x0  }
0x53: {  	s3 =	rddreg [dreg:$0x2];
	[bflag:$0x3] =	sbarrier.arrive $0xFFFF;
	s2 =	simm.s32 @!p0 $0x1C02  }
0x54: {  	[timem:s3], [sflag:s2] =	dma.local @!p0 [hbm:s0], s1  }
0x55: {  	s0 =	simm.s32 @!p0 $0x2  }
0x56: {  	_ =	swait.ge @!p0 [sflag:s0], s1  }
0x57: {  	s1 =	ssub.s32 @!p0 $0x0, s1;
	[sflag:s0] =	ssyncset.done @!p0 $0x0  }
0x58: {  	[sflag:s0] =	ssyncadd.s32 @!p0 s1  }
0x59: {  	[bflag:$0x3] =	sbarrier.arrive $0xFFFF  }
0x5a: {  	_ =	shalt  }

// kernel: kernel.15.cloned.1.call-start
scs
__scs_entry_jumppad:
0x0: {  	(pc) =	sbr.rel $0x88, $3  }
0x1: {  	(tag) =	ssettag $0x0;
	lr =	simm.s32 $0x1  }
0x2: {  	[smem:$0x3F88] =	sst lr;
	_ =	strace $0xD0000000  }
0x3: {  	_ = 	snop  }
0x4: {  	_ = 	snop  }
0x5: {  	_ = 	snop  }
0x6: {  	_ = 	snop  }
0x7: {  	_ = 	snop  }
__scs_overlays_trampoline_lowered:
0x8: {  	[smem:$0x3F97] =	sst s0  }
0x9: {  	[smem:$0x3F98] =	sst s1  }
0xa: {  	[smem:$0x3F99] =	sst s2  }
0xb: {  	[smem:$0x3F9A] =	sst s3  }
0xc: {  	[smem:$0x3F9B] =	sst s4  }
0xd: {  	[smem:$0x3F9C] =	sst s5  }
0xe: {  	[smem:$0x3F9D] =	sst s6  }
0xf: {  	[smem:$0x3F9E] =	sst s7  }
0x10: {  	[smem:$0x3F9F] =	sst s8  }
0x11: {  	[smem:$0x3FA0] =	sst s9;
	s0 =	simm.s32 @!p0 $0x0  }
0x12: {  	s1 =	sld [smem:$0x3F86];
	s0 =	simm.s32 @p0 $0x1  }
0x13: {  	[smem:$0x3FA1] =	sst s0;
	s0 =	simm.s32 @!p1 $0x0  }
0x14: {  	s2 =	sld [smem:$0x3F85];
	s0 =	simm.s32 @p1 $0x1  }
0x15: {  	[smem:$0x3FA2] =	sst s0;
	s0 =	simm.s32 @!p2 $0x0  }
0x16: {  	s3 =	sld [smem:$0x3FDB];
	s0 =	simm.s32 @p2 $0x1  }
0x17: {  	s4 =	simm.s32 $0x1BF5;
	[smem:$0x3FA4] =	sst s0  }
0x18: {  	s0 =	sld [smem:$0x3F87];
	_ =	swait.ge [sflag:s4], $0x0  }
0x19: {  	s7 =	sld [smem:$0x3F88]  }
0x1a: {  	s8 =	sadd.s32 $0xFFFFE003, lr  }
0x1b: {  	s9 =	sadd.s32 $0xFFFFFEF7, lr;
	s5 =	simm.s32 $0xFFFFFFFF;
	p2 =	slt.u32 s8, $0xFFFFF086  }
0x1c: {  	p1 =	slt.u32 s9, $0xF7A;
	s5 =	simm.s32 @!p2 $0x0  }
0x1d: {  	s5 =	simm.s32 @p1 $0x1;
	p0 =	seq.s32 s7, s2  }
0x1e: {  	s7 =	smul.u32 @!p0 $0xF7A, s2;
	p2 =	seq.s32 @!p0 s5, $0x0  }
0x1f: {  	s9 =	smul.u32 $0xF7A, s1;
	s8 =	simm.s32 @!p0 $0x1BF5;
	p2 =	por !p2, p0  }
0x20: {  	[sflag:s8] =	ssyncset.s32 @!p0 $0xFFFFF086;
	s6 =	sadd.s32 @!p0 s3, s7;
	s7 =	simm.s32 @!p0 $0x108  }
0x21: {  	s3 =	sadd.s32 s3, s9;
	s6 =	sadd.s32 @!p0 $0x88, s6;
	s7 =	simm.s32 @p2 $0x1082  }
0x22: {  	[simem:s7], [sflag:s8] =	dma.local @!p0 [hbm:s6], $0xF7A  }
0x23: {  	s9 =	sor.u32 $0xD0000000, s2;
	s6 =	simm.s32 $0x108;
	_ =	swait.ge @!p0 [sflag:s8], $0x0  }
0x24: {  	s3 =	sadd.s32 $0x88, s3;
	s6 =	simm.s32 @!p1 $0x1082;
	[sflag:s4] =	ssyncset.s32 $0xFFFFF086  }
0x25: {  	[simem:s6], [sflag:s4] =	dma.local [hbm:s3], $0xF7A  }
0x26: {  	[smem:$0x3F88] =	sst s1;
	(tag) =	ssettag s2;
	_ =	strace s9  }
0x27: {  	s1 =	sld [smem:$0x3F98]  }
0x28: {  	s2 =	sld [smem:$0x3F99]  }
0x29: {  	s4 =	sld [smem:$0x3F9B]  }
0x2a: {  	p0 =	seq.s32 s5, $0x0;
	s5 =	sld [smem:$0x3F9C]  }
0x2b: {  	s6 =	sld [smem:$0x3F9D]  }
0x2c: {  	s7 =	sld [smem:$0x3F9E]  }
0x2d: {  	s3 =	simm.s32 $0x108;
	s8 =	sld [smem:$0x3F9F]  }
0x2e: {  	s3 =	simm.s32 @!p0 $0x1082;
	s9 =	sld [smem:$0x3FA0]  }
0x2f: {  	lr =	sadd.s32 s0, s3;
	s0 =	sld [smem:$0x3F97]  }
0x30: {  	s3 =	sld [smem:$0x3F9A]  }
0x31: {  	[smem:$0x3FA3] =	sst s10  }
0x32: {  	s10 =	sld [smem:$0x3FA1];
	_ =	sdelay $0x3  }
0x33: {  	p0 =	seq.s32 s10, $0x1;
	s10 =	sld [smem:$0x3FA3];
	_ =	sdelay $0x3  }
0x34: {  	[smem:$0x3FA3] =	sst s10  }
0x35: {  	s10 =	sld [smem:$0x3FA2];
	_ =	sdelay $0x3  }
0x36: {  	p1 =	seq.s32 s10, $0x1;
	s10 =	sld [smem:$0x3FA3];
	_ =	sdelay $0x3  }
0x37: {  	[smem:$0x3FA3] =	sst s10  }
0x38: {  	s10 =	sld [smem:$0x3FA4]  }
0x39: {  	_ = 	snop;
	(pc) =	sbr.ind lr, $3  }
0x3a: {  	_ = 	snop  }
0x3b: {  	_ = 	snop  }
0x3c: {  	p2 =	seq.s32 s10, $0x1;
	s10 =	sld [smem:$0x3FA3]  }
0x3d: {  	_ =	shalt  }
0x3e: {  	_ =	shalt  }
0x3f: {  	_ =	shalt  }
0x40: {  	_ =	shalt  }
0x41: {  	_ =	shalt  }
0x42: {  	_ =	shalt  }
0x43: {  	_ =	shalt  }
0x44: {  	_ =	shalt  }
0x45: {  	_ =	shalt  }
0x46: {  	_ =	shalt  }
0x47: {  	_ =	shalt  }
0x48: {  	_ =	shalt  }
0x49: {  	_ =	shalt  }
0x4a: {  	_ =	shalt  }
0x4b: {  	_ =	shalt  }
0x4c: {  	_ =	shalt  }
0x4d: {  	_ =	shalt  }
0x4e: {  	_ =	shalt  }
0x4f: {  	_ =	shalt  }
0x50: {  	_ =	shalt  }
0x51: {  	_ =	shalt  }
0x52: {  	_ =	shalt  }
0x53: {  	_ =	shalt  }
0x54: {  	_ =	shalt  }
0x55: {  	_ =	shalt  }
0x56: {  	_ =	shalt  }
0x57: {  	_ =	shalt  }
0x58: {  	_ =	shalt  }
0x59: {  	_ =	shalt  }
0x5a: {  	_ =	shalt  }
0x5b: {  	_ =	shalt  }
0x5c: {  	_ =	shalt  }
0x5d: {  	_ =	shalt  }
0x5e: {  	_ =	shalt  }
0x5f: {  	_ =	shalt  }
0x60: {  	_ =	shalt  }
0x61: {  	_ =	shalt  }
0x62: {  	_ =	shalt  }
0x63: {  	_ =	shalt  }
0x64: {  	_ =	shalt  }
0x65: {  	_ =	shalt  }
0x66: {  	_ =	shalt  }
0x67: {  	_ =	shalt  }
0x68: {  	_ =	shalt  }
0x69: {  	_ =	shalt  }
0x6a: {  	_ =	shalt  }
0x6b: {  	_ =	shalt  }
0x6c: {  	_ =	shalt  }
0x6d: {  	_ =	shalt  }
0x6e: {  	_ =	shalt  }
0x6f: {  	_ =	shalt  }
0x70: {  	_ =	shalt  }
0x71: {  	_ =	shalt  }
0x72: {  	_ =	shalt  }
0x73: {  	_ =	shalt  }
0x74: {  	_ =	shalt  }
0x75: {  	_ =	shalt  }
0x76: {  	_ =	shalt  }
0x77: {  	_ =	shalt  }
0x78: {  	_ =	shalt  }
0x79: {  	_ =	shalt  }
0x7a: {  	_ =	shalt  }
0x7b: {  	_ =	shalt  }
0x7c: {  	_ =	shalt  }
0x7d: {  	_ =	shalt  }
0x7e: {  	_ =	shalt  }
0x7f: {  	_ =	shalt  }
0x80: {  	_ =	shalt  }
0x81: {  	_ =	shalt  }
0x82: {  	_ =	shalt  }
0x83: {  	_ =	shalt  }
0x84: {  	_ =	shalt  }
0x85: {  	_ =	shalt  }
0x86: {  	_ =	shalt  }
0x87: {  	_ =	shalt  }
.Lfunc_end0:
.L_simem_size_0:
called_computation.2_lowered:
.L_overlay_start_0:
0x88: {  	s2 =	sld [smem:$0x3FD9]  }
0x89: {  	s3 =	sld [smem:$0x3FFE];
	_ =	sdelay $0x1  }
0x8a: {  	s1 =	srdreg.scid  }
0x8b: {  	s0 =	sand.u32 $0x1, s1  }
0x8c: {  	s16 =	sshll.u32 s0, $0xA;
	s2 =	sadd.s32 s3, s2  }
0x8d: {  	s2 =	sadd.s32 s2, s16  }
0x8e: {  	[smem:$0x3FAF] =	sst s2  }
0x8f: {  	_ = 	snop  }
0x90: {  	(tm) =	ssettm $0x1  }
0x91: {  	s17 =	sld [smem:$0x3FFB];
	_ =	sdelay $0x3  }
0x92: {  	_ =	strace s17  }
0x93: {  	s2 =	sld [smem:$0x3FFC];
	_ =	sdelay $0x3  }
0x94: {  	_ =	strace s2  }
0x95: {  	s2 =	sld [smem:$0x3FFD];
	_ =	sdelay $0x3  }
0x96: {  	_ =	strace s2  }
0x97: {  	_ =	strace $0x8FFFFFFF  }
0x98: {  	s18 =	sld [smem:$0x3FDB];
	_ =	sdelay $0x1  }
0x99: {  	s19 =	simm.s32 $_scs_section_size  }
0x9a: {  	s4 =	simm.s32 $_size__tile_overlayer_lowered;
	s5 =	simm.s32 $_tile_overlayer_lowered  }
0x9b: {  	s22 =	simm.s32 $0x1BFF;
	s21 =	sshll.u32 s5, $0x1;
	s2 =	sadd.s32 s19, s18  }
0x9c: {  	s6 =	simm.s32 $0x0;
	s20 =	sshll.u32 s4, $0x1;
	s4 =	sadd.s32 s21, s2  }
0x9d: {  	[timem:s6], [sflag:s22] =	dma.local [hbm:s4], s20  }
0x9e: {  	_ =	swait.ge [sflag:s22], s20  }
0x9f: {  	s3 =	ssub.s32 $0x0, s20;
	[sflag:s22] =	ssyncset.done $0x0  }
0xa0: {  	[sflag:s22] =	ssyncadd.s32 s3;
	_ =	sdelay $0x1  }
0xa1: {  	s23 =	simm.s32 $0x1B8B  }
0xa2: {  	_ =	swait.ge [sflag:s23], $0x1  }
0xa3: {  	[sflag:s23] =	ssyncset.done $0x0  }
0xa4: {  	s25 =	simm.s32 $0x1B8E;
	s24 =	sld [smem:$0x3FFE];
	[sflag:s23] =	ssyncadd.s32 $0xFFFFFFFF  }
0xa5: {  	s26 =	simm.s32 $execute0_lowered;
	[smem:$0x3FD2] =	sst s25  }
0xa6: {  	s4 =	sshll.u32 s26, $0x1;
	_ =	strace $0x8000004C;
	[dreg:$0x1] =	wrdreg $0xFFFFFFFF  }
0xa7: {  	s28 =	simm.s32 $_size_execute0_lowered;
	s2 =	sadd.s32 s2, s4;
	[dreg:$0x0] =	wrdreg $0x0  }
0xa8: {  	s4 =	sshll.u32 s28, $0x1;
	[dreg:$0x2] =	wrdreg s2  }
0xa9: {  	[dreg:$0x3] =	wrdreg s4  }
0xaa: {  	[dreg:$0x4] =	wrdreg $0xC0  }
0xab: {  	_ =	task [dreg:s6], $0x5FFFF  }
0xac: {  	[dreg:$0x1] =	wrdreg $0xFFFFFFFF  }
0xad: {  	[dreg:$0x0] =	wrdreg $0x60  }
0xae: {  	[dreg:$0x2] =	wrdreg s24  }
0xaf: {  	[dreg:$0x3] =	wrdreg $0x35200  }
0xb0: {  	[dreg:$0x4] =	wrdreg $0x9  }
0xb1: {  	_ =	task.clear_ibuf [dreg:s6], $0x5FFFF;
	_ =	strace $0x9000004C  }
0xb2: {  	s29 =	simm.s32 $0x9;
	_ =	strace $0x8000004E  }
0xb3: {  	_ =	swait.ge [sflag:s29], $0x1  }
0xb4: {  	[sflag:s29] =	ssyncadd.s32 $0xFFFFFFFF  }
0xb5: {  	_ =	strace $0x9000004E  }
0xb6: {  	_ =	sfence  }
0xb7: {  	s30 =	sld [smem:$0x0];
	_ =	sdelay $0x2  }
0xb8: {  	s31 =	sshll.u32 s1, $0xD;
	s1 =	sshrl.u32 s1, $0x2  }
0xb9: {  	s3 =	sand.u32 $0x4000, s31;
	s1 =	sadd.s32 s1, s30  }
0xba: {  	s0 =	sor.u32 s3, s0;
	s1 =	sshll.u32 s1, $0x11  }
0xbb: {  	s0 =	sor.u32 s1, s0  }
0xbc: {  	s0 =	sadd.s32 $0x8F2B, s0  }
0xbd: {  	[sflag:s0] =	ssyncadd.remote.s32 $0x1  }
0xbe: {  	_ =	sfence.sel $0xFFFF  }
0xbf: {  	[dreg:$0x0] =	wrdreg $0xFFFFFFFF;
	(pc) =	sbr.abs _section_cstart, $3  }
0xc0: {  	[dreg:$0x1] =	wrdreg $0xFFFFFFFF  }
0xc1: {  	_ =	task.clear_ibuf [dreg:s6], $0x2FFFF;
	_ =	strace $0x9FFFFFFF  }
0xc2: {  	(tm) =	ssettm $0x7FFFFFFF  }
0xc3: {  	_ =	shalt  }
tec
execute0_lowered:
.L_overlay_start_1:
0x0: {  	(tag) =	ssettag $0x1  }
0x1: {  	s8 =	rddreg [dreg:$0x0]  }
0x2: {  	s2 =	rddreg [dreg:$0x1]  }
0x3: {  	s0 =	rddreg [dreg:$0x2]  }
0x4: {  	s1 =	stileid.u32;
	s5 =	srdreg.scid;
	s3 =	simm.s32 $0x0  }
0x5: {  	s14 =	simm.s32 $0x320;
	s15 =	simm.s32 $0x1;
	s4 =	smul.u32 $0x186A, s1  }
0x6: {  	s16 =	simm.s32 $0x0;
	s6 =	smul.u32 $0x18700, s1;
	s7 =	sand.u32 $0x1, s5  }
0x7: {  	[smem:$0x7FF] =	sst s3;
	s31 =	sshll.u32 s1, $0x6;
	s5 =	smul.u32 $0x187000, s7  }
0x8: {  	_ =	strace $0x8000004D;
	s30 =	ssub.s32 $0x2, s7;
	p0 =	seq.s32 s7, $0x1  }
0x9: {  	s10 =	sadd.s32 s4, s8;
	s9 =	sshrl.u32 s6, $0x3;
	s11 =	sshrl.u32 s30, $0x1  }
0xa: {  	s13 =	sadd.s32 s6, s2;
	s29 =	sadd.s32 s6, s5;
	s9 =	sadd.s32 s9, s8  }
0xb: {  	s11 =	ssub.s32 s30, s11;
	s5 =	sor.u32 $0x1C02, s31;
	s4 =	sshrl.u32 s29, $0x3  }
0xc: {  	s7 =	smax.u32 s11, $0x1;
	s11 =	sshrl.u32 s13, $0x3;
	s13 =	simm.s32 $0x190  }
0xd: {  	s12 =	sadd.s32 s4, s8;
	s4 =	sadd.s32 $0x96600, s9;
	s9 =	simm.s32 $0x34A00  }
0xe: {  	s6 =	sadd.s32 $0xC7400, s12;
	s9 =	simm.s32 @!p0 $0x65800;
	s12 =	simm.s32 $0x2  }
0xf: {  	s8 =	sadd.s32 s9, s8;
	s9 =	sadd.s32 $0x3A00, s10;
	s10 =	sadd.s32 $0x1C200, s10  }
.LBB2_1:
0x10: {  	[spmem:s11], [sflag:s5] =	dma.local [hbm:s4], $0x30E0  }
0x11: {  	_ =	swait.ge [sflag:s12], $0x30E0  }
0x12: {  	[sflag:s12] =	ssyncset.done $0x0  }
0x13: {  	[sflag:s12] =	ssyncadd.s32 $0xFFFFCF20  }
0x14: {  	s17 =	sadd.s32 $0x0, s10;
	[bflag:$0x0] =	sbarrier.arrive $0xFFFF  }
0x15: {  	[tilespmem:s3], [sflag:$0x2] =	stream.linear.gather [hbm4b:s17+s3], $0x190, $0x38;
	[tilespmem:$0x1BC20] =	vst v63  }
0x16: {  	_ =	swait.ge [sflag:s12], $0x190  }
0x17: {  	[sflag:s12] =	ssyncset.done $0x0  }
0x18: {  	s31 =	sadd.s32 $0x0, s9;
	[sflag:s12] =	ssyncadd.s32 $0xFFFFFE70  }
0x19: {  	[tilespmem:s13], [sflag:$0x2] =	stream.linear.gather [hbm4b:s31+s3], $0x190, $0x38;
	[tilespmem:$0x1BC20] =	vst v63  }
0x1a: {  	_ =	swait.ge [sflag:s12], $0x190  }
0x1b: {  	[sflag:s12] =	ssyncset.done $0x0  }
0x1c: {  	[sflag:s12] =	ssyncadd.s32 $0xFFFFFE70  }
0x1d: {  	[tilespmem:s14], [sflag:$0x1] =	stream.indirect.gather [hbm4b:s8+s13], $0x20, s3, s13, $0xb8;
	[tilespmem:$0x1BC20] =	vst v63  }
0x1e: {  	_ =	swait.ge [sflag:s15], $0x3200  }
0x1f: {  	[sflag:s15] =	ssyncset.done $0x0  }
0x20: {  	[sflag:s15] =	ssyncadd.s32 $0xFFFFCE00  }
0x21: {  	[spmem:s2] =	stream.indirect.scatter.add.f32 [tilespmem:s14], [sflag:$0x2], $0x20, s13, s13, $0xb8;
	[tilespmem:$0x1BC20] =	vst v63  }
0x22: {  	_ =	swait.ge [sflag:s12], $0x3200  }
0x23: {  	s18 =	simm.s32 $0x64;
	s17 =	simm.s32 $0x32;
	[sflag:s12] =	ssyncset.done $0x0  }
.LBB2_2:
0x24: {  	s19 =	sadd.s32 s17, s10  }
0x25: {  	[sflag:s12] =	ssyncadd.s32 $0xFFFFCE00;
	s20 =	smov.u32 s18;
	s21 =	sadd.s32 $0x32, s18  }
0x26: {  	[tilespmem:s3], [sflag:$0x2] =	stream.linear.gather [hbm4b:s19+s3], $0x190, $0x38;
	[tilespmem:$0x1BC20] =	vst v63  }
0x27: {  	p0 =	sne.s32 s18, $0x1838;
	_ =	swait.ge [sflag:s12], $0x190  }
0x28: {  	[sflag:s12] =	ssyncset.done $0x0  }
0x29: {  	s18 =	sadd.s32 s17, s9;
	s17 =	smov.u32 s20;
	[sflag:s12] =	ssyncadd.s32 $0xFFFFFE70  }
0x2a: {  	[tilespmem:s13], [sflag:$0x2] =	stream.linear.gather [hbm4b:s18+s3], $0x190, $0x38;
	[tilespmem:$0x1BC20] =	vst v63  }
0x2b: {  	_ =	swait.ge [sflag:s12], $0x190  }
0x2c: {  	[sflag:s12] =	ssyncset.done $0x0  }
0x2d: {  	[sflag:s12] =	ssyncadd.s32 $0xFFFFFE70  }
0x2e: {  	[tilespmem:s14], [sflag:$0x1] =	stream.indirect.gather [hbm4b:s8+s13], $0x20, s3, s13, $0xb8;
	[tilespmem:$0x1BC20] =	vst v63  }
0x2f: {  	_ =	swait.ge [sflag:s15], $0x3200  }
.Ltmp0:
0x30: {  	[sflag:s15] =	ssyncset.done $0x0;
	(pc) =	sbr.rel @p0 .LBB2_2-.Ltmp0, $4  }
0x31: {  	[sflag:s15] =	ssyncadd.s32 $0xFFFFCE00  }
0x32: {  	[spmem:s2] =	stream.indirect.scatter.add.f32 [tilespmem:s14], [sflag:$0x2], $0x20, s13, s13, $0xb8;
	[tilespmem:$0x1BC20] =	vst v63  }
0x33: {  	_ =	swait.ge [sflag:s12], $0x3200  }
0x34: {  	s18 =	smov.u32 s21;
	[sflag:s12] =	ssyncset.done $0x0  }
0x35: {  	s18 =	sadd.s32 s17, s10;
	[sflag:s12] =	ssyncadd.s32 $0xFFFFCE00  }
0x36: {  	[tilespmem:s3], [sflag:$0x2] =	stream.linear.gather [hbm4b:s18+s3], $0x190, $0x38;
	[tilespmem:$0x1BC20] =	vst v63  }
0x37: {  	_ =	swait.ge [sflag:s12], $0x190  }
0x38: {  	[sflag:s12] =	ssyncset.done $0x0  }
0x39: {  	s31 =	sadd.s32 s17, s9;
	[sflag:s12] =	ssyncadd.s32 $0xFFFFFE70  }
0x3a: {  	[tilespmem:s13], [sflag:$0x2] =	stream.linear.gather [hbm4b:s31+s3], $0x190, $0x38;
	[tilespmem:$0x1BC20] =	vst v63  }
0x3b: {  	_ =	swait.ge [sflag:s12], $0x190  }
0x3c: {  	[sflag:s12] =	ssyncset.done $0x0  }
0x3d: {  	[sflag:s12] =	ssyncadd.s32 $0xFFFFFE70  }
0x3e: {  	[tilespmem:s14], [sflag:$0x1] =	stream.indirect.gather [hbm4b:s8+s13], $0x20, s3, s13, $0xb8;
	[tilespmem:$0x1BC20] =	vst v63  }
0x3f: {  	_ =	swait.ge [sflag:s15], $0x3200  }
0x40: {  	[sflag:s15] =	ssyncset.done $0x0  }
0x41: {  	[sflag:s15] =	ssyncadd.s32 $0xFFFFCE00  }
0x42: {  	[spmem:s2] =	stream.indirect.scatter.add.f32 [tilespmem:s14], [sflag:$0x2], $0x20, s13, s13, $0xb8;
	[tilespmem:$0x1BC20] =	vst v63  }
0x43: {  	_ =	swait.ge [sflag:s12], $0x3200  }
0x44: {  	s16 =	sadd.s32 $0x1, s16;
	[sflag:s12] =	ssyncset.done $0x0  }
0x45: {  	p0 =	sne.s32 s16, s7;
	[sflag:s12] =	ssyncadd.s32 $0xFFFFCE00  }
.Ltmp1:
0x46: {  	[bflag:$0x0] =	sbarrier.arrive $0xFFFF;
	(pc) =	sbr.rel @p0 .LBB2_1-.Ltmp1, $4  }
0x47: {  	[hbm:s6], [sflag:s5] =	dma.local [spmem:s11], $0x30E0  }
0x48: {  	_ =	swait.ge [sflag:s12], $0x30E0  }
0x49: {  	[sflag:s12] =	ssyncset.done $0x0  }
0x4a: {  	[sflag:s12] =	ssyncadd.s32 $0xFFFFCF20  }
0x4b: {  	_ =	sfence.sel $0x180000  }
0x4c: {  	[bflag:$0x0] =	sbarrier.arrive $0xFFFF  }
0x4d: {  	p0 =	sne.s32 s1, $0x0;
	_ =	strace $0x9000004D  }
0x4e: {  	s0 =	sadd.s32 @!p0 $0x100000, s0;
	[bflag:$0x2] =	sbarrier.arrive $0xFFFF  }
0x4f: {  	[sflag:s0] =	ssyncadd.tile.s32 @!p0 $0x1;
	_ =	shalt  }
.Lfunc_end2:
_tile_overlayer_lowered:
.L_overlay_start_2:
0x50: {  	(tag) =	ssettag $0x2  }
0x51: {  	s0 =	rddreg [dreg:$0x0];
	s2 =	stileid.u32  }
0x52: {  	s1 =	rddreg [dreg:$0x1];
	p0 =	sne.s32 s2, $0x0  }
0x53: {  	s3 =	rddreg [dreg:$0x2];
	[bflag:$0x3] =	sbarrier.arrive $0xFFFF;
	s2 =	simm.s32 @!p0 $0x1C02  }
0x54: {  	[timem:s3], [sflag:s2] =	dma.local @!p0 [hbm:s0], s1  }
0x55: {  	s0 =	simm.s32 @!p0 $0x2  }
0x56: {  	_ =	swait.ge @!p0 [sflag:s0], s1  }
0x57: {  	s1 =	ssub.s32 @!p0 $0x0, s1;
	[sflag:s0] =	ssyncset.done @!p0 $0x0  }
0x58: {  	[sflag:s0] =	ssyncadd.s32 @!p0 s1  }
0x59: {  	[bflag:$0x3] =	sbarrier.arrive $0xFFFF  }
0x5a: {  	_ =	shalt  }

// kernel: kernel.9.cloned.1.call-start
scs
__scs_entry_jumppad:
0x0: {  	(pc) =	sbr.rel $0x88, $3  }
0x1: {  	(tag) =	ssettag $0x0;
	lr =	simm.s32 $0x1  }
0x2: {  	[smem:$0x3F88] =	sst lr;
	_ =	strace $0xD0000000  }
0x3: {  	_ = 	snop  }
0x4: {  	_ = 	snop  }
0x5: {  	_ = 	snop  }
0x6: {  	_ = 	snop  }
0x7: {  	_ = 	snop  }
__scs_overlays_trampoline_lowered:
0x8: {  	[smem:$0x3F97] =	sst s0  }
0x9: {  	[smem:$0x3F98] =	sst s1  }
0xa: {  	[smem:$0x3F99] =	sst s2  }
0xb: {  	[smem:$0x3F9A] =	sst s3  }
0xc: {  	[smem:$0x3F9B] =	sst s4  }
0xd: {  	[smem:$0x3F9C] =	sst s5  }
0xe: {  	[smem:$0x3F9D] =	sst s6  }
0xf: {  	[smem:$0x3F9E] =	sst s7  }
0x10: {  	[smem:$0x3F9F] =	sst s8  }
0x11: {  	[smem:$0x3FA0] =	sst s9;
	s0 =	simm.s32 @!p0 $0x0  }
0x12: {  	s1 =	sld [smem:$0x3F86];
	s0 =	simm.s32 @p0 $0x1  }
0x13: {  	[smem:$0x3FA1] =	sst s0;
	s0 =	simm.s32 @!p1 $0x0  }
0x14: {  	s2 =	sld [smem:$0x3F85];
	s0 =	simm.s32 @p1 $0x1  }
0x15: {  	[smem:$0x3FA2] =	sst s0;
	s0 =	simm.s32 @!p2 $0x0  }
0x16: {  	s3 =	sld [smem:$0x3FDB];
	s0 =	simm.s32 @p2 $0x1  }
0x17: {  	s4 =	simm.s32 $0x1BF5;
	[smem:$0x3FA4] =	sst s0  }
0x18: {  	s0 =	sld [smem:$0x3F87];
	_ =	swait.ge [sflag:s4], $0x0  }
0x19: {  	s7 =	sld [smem:$0x3F88]  }
0x1a: {  	s8 =	sadd.s32 $0xFFFFE003, lr  }
0x1b: {  	s9 =	sadd.s32 $0xFFFFFEF7, lr;
	s5 =	simm.s32 $0xFFFFFFFF;
	p2 =	slt.u32 s8, $0xFFFFF086  }
0x1c: {  	p1 =	slt.u32 s9, $0xF7A;
	s5 =	simm.s32 @!p2 $0x0  }
0x1d: {  	s5 =	simm.s32 @p1 $0x1;
	p0 =	seq.s32 s7, s2  }
0x1e: {  	s7 =	smul.u32 @!p0 $0xF7A, s2;
	p2 =	seq.s32 @!p0 s5, $0x0  }
0x1f: {  	s9 =	smul.u32 $0xF7A, s1;
	s8 =	simm.s32 @!p0 $0x1BF5;
	p2 =	por !p2, p0  }
0x20: {  	[sflag:s8] =	ssyncset.s32 @!p0 $0xFFFFF086;
	s6 =	sadd.s32 @!p0 s3, s7;
	s7 =	simm.s32 @!p0 $0x108  }
0x21: {  	s3 =	sadd.s32 s3, s9;
	s6 =	sadd.s32 @!p0 $0x88, s6;
	s7 =	simm.s32 @p2 $0x1082  }
0x22: {  	[simem:s7], [sflag:s8] =	dma.local @!p0 [hbm:s6], $0xF7A  }
0x23: {  	s9 =	sor.u32 $0xD0000000, s2;
	s6 =	simm.s32 $0x108;
	_ =	swait.ge @!p0 [sflag:s8], $0x0  }
0x24: {  	s3 =	sadd.s32 $0x88, s3;
	s6 =	simm.s32 @!p1 $0x1082;
	[sflag:s4] =	ssyncset.s32 $0xFFFFF086  }
0x25: {  	[simem:s6], [sflag:s4] =	dma.local [hbm:s3], $0xF7A  }
0x26: {  	[smem:$0x3F88] =	sst s1;
	(tag) =	ssettag s2;
	_ =	strace s9  }
0x27: {  	s1 =	sld [smem:$0x3F98]  }
0x28: {  	s2 =	sld [smem:$0x3F99]  }
0x29: {  	s4 =	sld [smem:$0x3F9B]  }
0x2a: {  	p0 =	seq.s32 s5, $0x0;
	s5 =	sld [smem:$0x3F9C]  }
0x2b: {  	s6 =	sld [smem:$0x3F9D]  }
0x2c: {  	s7 =	sld [smem:$0x3F9E]  }
0x2d: {  	s3 =	simm.s32 $0x108;
	s8 =	sld [smem:$0x3F9F]  }
0x2e: {  	s3 =	simm.s32 @!p0 $0x1082;
	s9 =	sld [smem:$0x3FA0]  }
0x2f: {  	lr =	sadd.s32 s0, s3;
	s0 =	sld [smem:$0x3F97]  }
0x30: {  	s3 =	sld [smem:$0x3F9A]  }
0x31: {  	[smem:$0x3FA3] =	sst s10  }
0x32: {  	s10 =	sld [smem:$0x3FA1];
	_ =	sdelay $0x3  }
0x33: {  	p0 =	seq.s32 s10, $0x1;
	s10 =	sld [smem:$0x3FA3];
	_ =	sdelay $0x3  }
0x34: {  	[smem:$0x3FA3] =	sst s10  }
0x35: {  	s10 =	sld [smem:$0x3FA2];
	_ =	sdelay $0x3  }
0x36: {  	p1 =	seq.s32 s10, $0x1;
	s10 =	sld [smem:$0x3FA3];
	_ =	sdelay $0x3  }
0x37: {  	[smem:$0x3FA3] =	sst s10  }
0x38: {  	s10 =	sld [smem:$0x3FA4]  }
0x39: {  	_ = 	snop;
	(pc) =	sbr.ind lr, $3  }
0x3a: {  	_ = 	snop  }
0x3b: {  	_ = 	snop  }
0x3c: {  	p2 =	seq.s32 s10, $0x1;
	s10 =	sld [smem:$0x3FA3]  }
0x3d: {  	_ =	shalt  }
0x3e: {  	_ =	shalt  }
0x3f: {  	_ =	shalt  }
0x40: {  	_ =	shalt  }
0x41: {  	_ =	shalt  }
0x42: {  	_ =	shalt  }
0x43: {  	_ =	shalt  }
0x44: {  	_ =	shalt  }
0x45: {  	_ =	shalt  }
0x46: {  	_ =	shalt  }
0x47: {  	_ =	shalt  }
0x48: {  	_ =	shalt  }
0x49: {  	_ =	shalt  }
0x4a: {  	_ =	shalt  }
0x4b: {  	_ =	shalt  }
0x4c: {  	_ =	shalt  }
0x4d: {  	_ =	shalt  }
0x4e: {  	_ =	shalt  }
0x4f: {  	_ =	shalt  }
0x50: {  	_ =	shalt  }
0x51: {  	_ =	shalt  }
0x52: {  	_ =	shalt  }
0x53: {  	_ =	shalt  }
0x54: {  	_ =	shalt  }
0x55: {  	_ =	shalt  }
0x56: {  	_ =	shalt  }
0x57: {  	_ =	shalt  }
0x58: {  	_ =	shalt  }
0x59: {  	_ =	shalt  }
0x5a: {  	_ =	shalt  }
0x5b: {  	_ =	shalt  }
0x5c: {  	_ =	shalt  }
0x5d: {  	_ =	shalt  }
0x5e: {  	_ =	shalt  }
0x5f: {  	_ =	shalt  }
0x60: {  	_ =	shalt  }
0x61: {  	_ =	shalt  }
0x62: {  	_ =	shalt  }
0x63: {  	_ =	shalt  }
0x64: {  	_ =	shalt  }
0x65: {  	_ =	shalt  }
0x66: {  	_ =	shalt  }
0x67: {  	_ =	shalt  }
0x68: {  	_ =	shalt  }
0x69: {  	_ =	shalt  }
0x6a: {  	_ =	shalt  }
0x6b: {  	_ =	shalt  }
0x6c: {  	_ =	shalt  }
0x6d: {  	_ =	shalt  }
0x6e: {  	_ =	shalt  }
0x6f: {  	_ =	shalt  }
0x70: {  	_ =	shalt  }
0x71: {  	_ =	shalt  }
0x72: {  	_ =	shalt  }
0x73: {  	_ =	shalt  }
0x74: {  	_ =	shalt  }
0x75: {  	_ =	shalt  }
0x76: {  	_ =	shalt  }
0x77: {  	_ =	shalt  }
0x78: {  	_ =	shalt  }
0x79: {  	_ =	shalt  }
0x7a: {  	_ =	shalt  }
0x7b: {  	_ =	shalt  }
0x7c: {  	_ =	shalt  }
0x7d: {  	_ =	shalt  }
0x7e: {  	_ =	shalt  }
0x7f: {  	_ =	shalt  }
0x80: {  	_ =	shalt  }
0x81: {  	_ =	shalt  }
0x82: {  	_ =	shalt  }
0x83: {  	_ =	shalt  }
0x84: {  	_ =	shalt  }
0x85: {  	_ =	shalt  }
0x86: {  	_ =	shalt  }
0x87: {  	_ =	shalt  }
.Lfunc_end0:
.L_simem_size_0:
called_computation_lowered:
.L_overlay_start_0:
0x88: {  	s2 =	sld [smem:$0x3FD9]  }
0x89: {  	s3 =	sld [smem:$0x3FFE];
	_ =	sdelay $0x1  }
0x8a: {  	s1 =	srdreg.scid  }
0x8b: {  	s0 =	sand.u32 $0x1, s1  }
0x8c: {  	s16 =	sshll.u32 s0, $0xA;
	s2 =	sadd.s32 s3, s2  }
0x8d: {  	s2 =	sadd.s32 s2, s16  }
0x8e: {  	[smem:$0x3FAF] =	sst s2  }
0x8f: {  	_ = 	snop  }
0x90: {  	(tm) =	ssettm $0x1  }
0x91: {  	s17 =	sld [smem:$0x3FFB];
	_ =	sdelay $0x3  }
0x92: {  	_ =	strace s17  }
0x93: {  	s2 =	sld [smem:$0x3FFC];
	_ =	sdelay $0x3  }
0x94: {  	_ =	strace s2  }
0x95: {  	s2 =	sld [smem:$0x3FFD];
	_ =	sdelay $0x3  }
0x96: {  	_ =	strace s2  }
0x97: {  	_ =	strace $0x8FFFFFFF  }
0x98: {  	s18 =	sld [smem:$0x3FDB];
	_ =	sdelay $0x1  }
0x99: {  	s19 =	simm.s32 $_scs_section_size  }
0x9a: {  	s4 =	simm.s32 $_size__tile_overlayer_lowered;
	s5 =	simm.s32 $_tile_overlayer_lowered  }
0x9b: {  	s22 =	simm.s32 $0x1BFF;
	s21 =	sshll.u32 s5, $0x1;
	s2 =	sadd.s32 s19, s18  }
0x9c: {  	s6 =	simm.s32 $0x0;
	s20 =	sshll.u32 s4, $0x1;
	s4 =	sadd.s32 s21, s2  }
0x9d: {  	[timem:s6], [sflag:s22] =	dma.local [hbm:s4], s20  }
0x9e: {  	_ =	swait.ge [sflag:s22], s20  }
0x9f: {  	s3 =	ssub.s32 $0x0, s20;
	[sflag:s22] =	ssyncset.done $0x0  }
0xa0: {  	[sflag:s22] =	ssyncadd.s32 s3;
	_ =	sdelay $0x1  }
0xa1: {  	s23 =	simm.s32 $0x1B8B  }
0xa2: {  	_ =	swait.ge [sflag:s23], $0x1  }
0xa3: {  	[sflag:s23] =	ssyncset.done $0x0  }
0xa4: {  	s25 =	simm.s32 $0x1B8E;
	s24 =	sld [smem:$0x3FFE];
	[sflag:s23] =	ssyncadd.s32 $0xFFFFFFFF  }
0xa5: {  	s26 =	simm.s32 $execute0_lowered;
	[smem:$0x3FD2] =	sst s25  }
0xa6: {  	s4 =	sshll.u32 s26, $0x1;
	_ =	strace $0x80000046;
	[dreg:$0x1] =	wrdreg $0xFFFFFFFF  }
0xa7: {  	s28 =	simm.s32 $_size_execute0_lowered;
	s2 =	sadd.s32 s2, s4;
	[dreg:$0x0] =	wrdreg $0x0  }
0xa8: {  	s4 =	sshll.u32 s28, $0x1;
	[dreg:$0x2] =	wrdreg s2  }
0xa9: {  	[dreg:$0x3] =	wrdreg s4  }
0xaa: {  	[dreg:$0x4] =	wrdreg $0xC0  }
0xab: {  	_ =	task [dreg:s6], $0x5FFFF  }
0xac: {  	[dreg:$0x1] =	wrdreg $0xFFFFFFFF  }
0xad: {  	[dreg:$0x0] =	wrdreg $0x60  }
0xae: {  	[dreg:$0x2] =	wrdreg s24  }
0xaf: {  	[dreg:$0x3] =	wrdreg $0x27100  }
0xb0: {  	[dreg:$0x4] =	wrdreg $0x9  }
0xb1: {  	_ =	task.clear_ibuf [dreg:s6], $0x5FFFF;
	_ =	strace $0x90000046  }
0xb2: {  	s29 =	simm.s32 $0x9;
	_ =	strace $0x80000048  }
0xb3: {  	_ =	swait.ge [sflag:s29], $0x1  }
0xb4: {  	[sflag:s29] =	ssyncadd.s32 $0xFFFFFFFF  }
0xb5: {  	_ =	strace $0x90000048  }
0xb6: {  	_ =	sfence  }
0xb7: {  	s30 =	sld [smem:$0x0];
	_ =	sdelay $0x2  }
0xb8: {  	s31 =	sshll.u32 s1, $0xD;
	s1 =	sshrl.u32 s1, $0x2  }
0xb9: {  	s3 =	sand.u32 $0x4000, s31;
	s1 =	sadd.s32 s1, s30  }
0xba: {  	s0 =	sor.u32 s3, s0;
	s1 =	sshll.u32 s1, $0x11  }
0xbb: {  	s0 =	sor.u32 s1, s0  }
0xbc: {  	s0 =	sadd.s32 $0x8F2B, s0  }
0xbd: {  	[sflag:s0] =	ssyncadd.remote.s32 $0x1  }
0xbe: {  	_ =	sfence.sel $0xFFFF  }
0xbf: {  	[dreg:$0x0] =	wrdreg $0xFFFFFFFF;
	(pc) =	sbr.abs _section_cstart, $3  }
0xc0: {  	[dreg:$0x1] =	wrdreg $0xFFFFFFFF  }
0xc1: {  	_ =	task.clear_ibuf [dreg:s6], $0x2FFFF;
	_ =	strace $0x9FFFFFFF  }
0xc2: {  	(tm) =	ssettm $0x7FFFFFFF  }
0xc3: {  	_ =	shalt  }
tec
execute0_lowered:
.L_overlay_start_1:
0x0: {  	(tag) =	ssettag $0x1  }
0x1: {  	s5 =	rddreg [dreg:$0x0]  }
0x2: {  	s0 =	srdreg.scid;
	s2 =	rddreg [dreg:$0x1]  }
0x3: {  	s1 =	rddreg [dreg:$0x2];
	s3 =	simm.s32 $0x0;
	s6 =	sand.u32 $0x1, s0  }
0x4: {  	s13 =	simm.s32 $0x3E8;
	s0 =	stileid.u32;
	s4 =	smul.u32 $0x61A80, s6  }
0x5: {  	s14 =	simm.s32 $0x7D0;
	s15 =	simm.s32 $0x1;
	s7 =	smul.u32 $0x61A8, s0  }
0x6: {  	s16 =	simm.s32 $0x0;
	[smem:$0x7FF] =	sst s3;
	s8 =	smul.u32 $0x61C0, s0  }
0x7: {  	s28 =	smul.u32 $0x61C00, s6;
	_ =	strace $0x80000047;
	s6 =	ssub.s32 $0x2, s6  }
0x8: {  	s31 =	sshll.u32 s0, $0x6;
	s30 =	sshrl.u32 s6, $0x1;
	s4 =	sadd.s32 s7, s4  }
0x9: {  	s7 =	sadd.s32 s8, s28;
	s29 =	sshrl.u32 s8, $0x3;
	s11 =	ssub.s32 s6, s30  }
0xa: {  	s12 =	sadd.s32 s8, s2;
	s6 =	sor.u32 $0x1C02, s31;
	s9 =	sshrl.u32 s4, $0x3  }
0xb: {  	s4 =	sadd.s32 $0x34A00, s5;
	s7 =	sshrl.u32 s7, $0x3;
	s8 =	smax.u32 s11, $0x1  }
0xc: {  	s11 =	sshrl.u32 s12, $0x3;
	s10 =	sadd.s32 s9, s5;
	s9 =	sadd.s32 s29, s5  }
0xd: {  	s12 =	simm.s32 $0x2;
	s7 =	sadd.s32 s7, s5;
	s5 =	sadd.s32 $0x40E00, s9  }
0xe: {  	s7 =	sadd.s32 $0x4D200, s7;
	s9 =	sadd.s32 $0x3A00, s10;
	s10 =	sadd.s32 $0x1C200, s10  }
.LBB2_1:
0xf: {  	[spmem:s11], [sflag:s6] =	dma.local [hbm:s5], $0xC38  }
0x10: {  	_ =	swait.ge [sflag:s12], $0xC38  }
0x11: {  	[sflag:s12] =	ssyncset.done $0x0  }
0x12: {  	[sflag:s12] =	ssyncadd.s32 $0xFFFFF3C8  }
0x13: {  	s17 =	sadd.s32 $0x0, s10;
	[bflag:$0x0] =	sbarrier.arrive $0xFFFF  }
0x14: {  	[tilespmem:s3], [sflag:$0x2] =	stream.linear.gather [hbm4b:s17+s3], $0x3E8, $0x38;
	[tilespmem:$0x88D0] =	vst v63  }
0x15: {  	_ =	swait.ge [sflag:s12], $0x3E8  }
0x16: {  	[sflag:s12] =	ssyncset.done $0x0  }
0x17: {  	s31 =	sadd.s32 $0x0, s9;
	[sflag:s12] =	ssyncadd.s32 $0xFFFFFC18  }
0x18: {  	[tilespmem:s13], [sflag:$0x2] =	stream.linear.gather [hbm4b:s31+s3], $0x3E8, $0x38;
	[tilespmem:$0x88D0] =	vst v63  }
0x19: {  	_ =	swait.ge [sflag:s12], $0x3E8  }
0x1a: {  	[sflag:s12] =	ssyncset.done $0x0  }
0x1b: {  	[sflag:s12] =	ssyncadd.s32 $0xFFFFFC18  }
0x1c: {  	[tilespmem:s14], [sflag:$0x1] =	stream.indirect.gather [hbm4b:s4+s13], $0x8, s3, s13, $0xb8;
	[tilespmem:$0x88D0] =	vst v63  }
0x1d: {  	_ =	swait.ge [sflag:s15], $0x1F40  }
0x1e: {  	[sflag:s15] =	ssyncset.done $0x0  }
0x1f: {  	[sflag:s15] =	ssyncadd.s32 $0xFFFFE0C0  }
0x20: {  	[spmem:s2] =	stream.indirect.scatter.add.f32 [tilespmem:s14], [sflag:$0x2], $0x8, s13, s13, $0xb8;
	[tilespmem:$0x88D0] =	vst v63  }
0x21: {  	_ =	swait.ge [sflag:s12], $0x1F40  }
0x22: {  	s18 =	simm.s32 $0xFA;
	s17 =	simm.s32 $0x7D;
	[sflag:s12] =	ssyncset.done $0x0  }
.LBB2_2:
0x23: {  	s19 =	sadd.s32 s17, s10  }
0x24: {  	[sflag:s12] =	ssyncadd.s32 $0xFFFFE0C0;
	s20 =	smov.u32 s18;
	s21 =	sadd.s32 $0x7D, s18  }
0x25: {  	[tilespmem:s3], [sflag:$0x2] =	stream.linear.gather [hbm4b:s19+s3], $0x3E8, $0x38;
	[tilespmem:$0x88D0] =	vst v63  }
0x26: {  	p0 =	sne.s32 s18, $0xBB8;
	_ =	swait.ge [sflag:s12], $0x3E8  }
0x27: {  	[sflag:s12] =	ssyncset.done $0x0  }
0x28: {  	s18 =	sadd.s32 s17, s9;
	s17 =	smov.u32 s20;
	[sflag:s12] =	ssyncadd.s32 $0xFFFFFC18  }
0x29: {  	[tilespmem:s13], [sflag:$0x2] =	stream.linear.gather [hbm4b:s18+s3], $0x3E8, $0x38;
	[tilespmem:$0x88D0] =	vst v63  }
0x2a: {  	_ =	swait.ge [sflag:s12], $0x3E8  }
0x2b: {  	[sflag:s12] =	ssyncset.done $0x0  }
0x2c: {  	[sflag:s12] =	ssyncadd.s32 $0xFFFFFC18  }
0x2d: {  	[tilespmem:s14], [sflag:$0x1] =	stream.indirect.gather [hbm4b:s4+s13], $0x8, s3, s13, $0xb8;
	[tilespmem:$0x88D0] =	vst v63  }
0x2e: {  	_ =	swait.ge [sflag:s15], $0x1F40  }
.Ltmp0:
0x2f: {  	[sflag:s15] =	ssyncset.done $0x0;
	(pc) =	sbr.rel @p0 .LBB2_2-.Ltmp0, $4  }
0x30: {  	[sflag:s15] =	ssyncadd.s32 $0xFFFFE0C0  }
0x31: {  	[spmem:s2] =	stream.indirect.scatter.add.f32 [tilespmem:s14], [sflag:$0x2], $0x8, s13, s13, $0xb8;
	[tilespmem:$0x88D0] =	vst v63  }
0x32: {  	_ =	swait.ge [sflag:s12], $0x1F40  }
0x33: {  	s18 =	smov.u32 s21;
	[sflag:s12] =	ssyncset.done $0x0  }
0x34: {  	s18 =	sadd.s32 s17, s10;
	[sflag:s12] =	ssyncadd.s32 $0xFFFFE0C0  }
0x35: {  	[tilespmem:s3], [sflag:$0x2] =	stream.linear.gather [hbm4b:s18+s3], $0x3E8, $0x38;
	[tilespmem:$0x88D0] =	vst v63  }
0x36: {  	_ =	swait.ge [sflag:s12], $0x3E8  }
0x37: {  	[sflag:s12] =	ssyncset.done $0x0  }
0x38: {  	s31 =	sadd.s32 s17, s9;
	[sflag:s12] =	ssyncadd.s32 $0xFFFFFC18  }
0x39: {  	[tilespmem:s13], [sflag:$0x2] =	stream.linear.gather [hbm4b:s31+s3], $0x3E8, $0x38;
	[tilespmem:$0x88D0] =	vst v63  }
0x3a: {  	_ =	swait.ge [sflag:s12], $0x3E8  }
0x3b: {  	[sflag:s12] =	ssyncset.done $0x0  }
0x3c: {  	[sflag:s12] =	ssyncadd.s32 $0xFFFFFC18  }
0x3d: {  	[tilespmem:s14], [sflag:$0x1] =	stream.indirect.gather [hbm4b:s4+s13], $0x8, s3, s13, $0xb8;
	[tilespmem:$0x88D0] =	vst v63  }
0x3e: {  	_ =	swait.ge [sflag:s15], $0x1F40  }
0x3f: {  	[sflag:s15] =	ssyncset.done $0x0  }
0x40: {  	[sflag:s15] =	ssyncadd.s32 $0xFFFFE0C0  }
0x41: {  	[spmem:s2] =	stream.indirect.scatter.add.f32 [tilespmem:s14], [sflag:$0x2], $0x8, s13, s13, $0xb8;
	[tilespmem:$0x88D0] =	vst v63  }
0x42: {  	_ =	swait.ge [sflag:s12], $0x1F40  }
0x43: {  	s16 =	sadd.s32 $0x1, s16;
	[sflag:s12] =	ssyncset.done $0x0  }
0x44: {  	p0 =	sne.s32 s16, s8;
	[sflag:s12] =	ssyncadd.s32 $0xFFFFE0C0  }
.Ltmp1:
0x45: {  	[bflag:$0x0] =	sbarrier.arrive $0xFFFF;
	(pc) =	sbr.rel @p0 .LBB2_1-.Ltmp1, $4  }
0x46: {  	[hbm:s7], [sflag:s6] =	dma.local [spmem:s11], $0xC38  }
0x47: {  	_ =	swait.ge [sflag:s12], $0xC38  }
0x48: {  	[sflag:s12] =	ssyncset.done $0x0  }
0x49: {  	[sflag:s12] =	ssyncadd.s32 $0xFFFFF3C8  }
0x4a: {  	_ =	sfence.sel $0x180000  }
0x4b: {  	[bflag:$0x0] =	sbarrier.arrive $0xFFFF  }
0x4c: {  	p0 =	sne.s32 s0, $0x0;
	_ =	strace $0x90000047  }
0x4d: {  	s0 =	sadd.s32 @!p0 $0x100000, s1;
	[bflag:$0x2] =	sbarrier.arrive $0xFFFF  }
0x4e: {  	[sflag:s0] =	ssyncadd.tile.s32 @!p0 $0x1;
	_ =	shalt  }
.Lfunc_end2:
_tile_overlayer_lowered:
.L_overlay_start_2:
0x4f: {  	(tag) =	ssettag $0x2  }
0x50: {  	s0 =	rddreg [dreg:$0x0];
	s2 =	stileid.u32  }
0x51: {  	s1 =	rddreg [dreg:$0x1];
	p0 =	sne.s32 s2, $0x0  }
0x52: {  	s3 =	rddreg [dreg:$0x2];
	[bflag:$0x3] =	sbarrier.arrive $0xFFFF;
	s2 =	simm.s32 @!p0 $0x1C02  }
0x53: {  	[timem:s3], [sflag:s2] =	dma.local @!p0 [hbm:s0], s1  }
0x54: {  	s0 =	simm.s32 @!p0 $0x2  }
0x55: {  	_ =	swait.ge @!p0 [sflag:s0], s1  }
0x56: {  	s1 =	ssub.s32 @!p0 $0x0, s1;
	[sflag:s0] =	ssyncset.done @!p0 $0x0  }
0x57: {  	[sflag:s0] =	ssyncadd.s32 @!p0 s1  }
0x58: {  	[bflag:$0x3] =	sbarrier.arrive $0xFFFF  }
0x59: {  	_ =	shalt  }

</sc_bundles>
